<compile_context>
chip_gen: v7x
topology: tpu7x:2x2x1
jax: 0.10.2.dev20260603
libtpu: 0.0.44.dev20260713+nightly
codegen_flags: <defaults>
</compile_context>

<pallas_src>
import functools

import jax
import jax.numpy as jnp
from jax import lax
from jax.experimental import pallas as pl
from jax.experimental.pallas import tpu as pltpu
from jax.experimental.pallas import tpu_sc as plsc

N = 10000
D = 128
DP = 144
E = 320000
NC = 2
NS = 16
NW = NC * NS
B = 128
SB = 10
EPW0 = 19200
EPW1 = 1280
EPAD = NS * (EPW0 + EPW1)
RPT = N // NS


def _sc_body(g_hbm, src_hbm, dst_hbm, out_hbm,
             srcb, dstb, rows0, rows1, acc, semg0, semg1):
    cid = lax.axis_index("c")
    sid = lax.axis_index("s")
    ebase = jnp.where(cid == 0, sid * EPW0, NS * EPW0 + sid * EPW1)
    nch = jnp.where(cid == 0, EPW0 // B, EPW1 // B)

    with jax.named_scope("zero_phase"):
        def zstore(t, _):
            r = t // (DP // 16)
            k = t % (DP // 16)
            rows0[r, pl.ds(k * 16, 16)] = jnp.zeros((16,), jnp.float32)
            return 0
        lax.fori_loop(0, B * (DP // 16), zstore, 0)
        base = sid * RPT

        def zcopy(k, _):
            pltpu.sync_copy(rows0, acc.at[pl.ds(base + k * B, B), :])
            return 0
        lax.fori_loop(0, RPT // B, zcopy, 0)
        pltpu.sync_copy(rows0.at[pl.ds(0, RPT % B)],
                        acc.at[pl.ds(base + (RPT // B) * B, RPT % B), :])
        plsc.subcore_barrier()

    def superchunk(s, _):
        sbase = ebase + s * (SB * B)
        pltpu.sync_copy(src_hbm.at[pl.ds(sbase, SB * B)], srcb)
        pltpu.sync_copy(dst_hbm.at[pl.ds(sbase, SB * B)], dstb)
        pltpu.async_copy(g_hbm.at[srcb.at[pl.ds(0, B)]], rows0, semg0)

        def pair(jj, _):
            for b, (rcur, rnxt, scur, snxt) in enumerate(
                    ((rows0, rows1, semg0, semg1),
                     (rows1, rows0, semg1, semg0))):
                j = jj * 2 + b
                if b == 0:
                    pltpu.async_copy(
                        g_hbm.at[srcb.at[pl.ds((j + 1) * B, B)]], rnxt, snxt)
                else:

                    @pl.when(j + 1 < SB)
                    def _():
                        pltpu.async_copy(
                            g_hbm.at[srcb.at[pl.ds((j + 1) * B, B)]],
                            rnxt, snxt)
                pltpu.make_async_copy(
                    g_hbm.at[srcb.at[pl.ds(j * B, B)]], rcur, scur).wait()
                pltpu.sync_copy(rcur, acc.at[dstb.at[pl.ds(j * B, B)]],
                                add=True)
            return 0
        lax.fori_loop(0, SB // 2, pair, 0)
        return 0
    with jax.named_scope("accumulate"):
        lax.fori_loop(0, nch // SB, superchunk, 0)
        plsc.subcore_barrier()

    with jax.named_scope("flush"):
        pltpu.sync_copy(acc.at[pl.ds(sid * RPT, RPT), :],
                        out_hbm.at[cid, pl.ds(sid * RPT, RPT), :])


_sc_aggregate = functools.partial(
    pl.kernel,
    out_type=jax.ShapeDtypeStruct((NC, N, DP), jnp.float32),
    mesh=plsc.VectorSubcoreMesh(core_axis_name="c", subcore_axis_name="s"),
    compiler_params=pltpu.CompilerParams(use_tc_tiling_on_sc=False),
    scratch_types=[
        pltpu.VMEM((SB * B,), jnp.int32),
        pltpu.VMEM((SB * B,), jnp.int32),
        pltpu.VMEM((B, DP), jnp.float32),
        pltpu.VMEM((B, DP), jnp.float32),
        pltpu.VMEM_SHARED((N + 8, DP), jnp.float32),
        pltpu.SemaphoreType.DMA,
        pltpu.SemaphoreType.DMA,
    ],
)(_sc_body)


R = 1000


def _tc_project_body(x_ref, wl_ref, g_ref):
    g = jnp.dot(x_ref[...], wl_ref[...], preferred_element_type=jnp.float32)
    g_ref[:, :D] = g
    e = (lax.broadcasted_iota(jnp.int32, (R, DP - D), 1) == 0)
    g_ref[:, D:] = e.astype(jnp.float32)


def _tc_combine_body(p_ref, h_ref, wr_ref, bl_ref, wl_next_ref,
                     out_ref, g_ref=None, *, relu, project_next):
    s = p_ref[0] + p_ref[1]
    num = s[:, :D]
    cnt = s[:, D:D + 1]
    inv = 1.0 / jnp.maximum(cnt, 1.0)
    t = num * inv + bl_ref[...] + jnp.dot(
        h_ref[...], wr_ref[...], preferred_element_type=jnp.float32)
    nrm = jnp.sqrt(jnp.sum(t * t, axis=1, keepdims=True))
    h = t / jnp.maximum(nrm, 1e-12)
    if relu:
        h = jnp.maximum(h, 0.0)
    out_ref[...] = h
    if project_next:
        g = jnp.dot(h, wl_next_ref[...], preferred_element_type=jnp.float32)
        g_ref[:, :D] = g
        e = (lax.broadcasted_iota(jnp.int32, (R, DP - D), 1) == 0)
        g_ref[:, D:] = e.astype(jnp.float32)


def _tc_project(x, wl):
    return pl.pallas_call(
        _tc_project_body,
        grid=(N // R,),
        in_specs=[
            pl.BlockSpec((R, D), lambda i: (i, 0)),
            pl.BlockSpec((D, D), lambda i: (0, 0)),
        ],
        out_specs=pl.BlockSpec((R, DP), lambda i: (i, 0)),
        out_shape=jax.ShapeDtypeStruct((N, DP), jnp.float32),
    )(x, wl)


def _tc_combine(p, h, wr, bl, wl_next, relu, project_next):
    body = functools.partial(_tc_combine_body, relu=relu,
                             project_next=project_next)
    out_shapes = [jax.ShapeDtypeStruct((N, D), jnp.float32)]
    out_specs = [pl.BlockSpec((R, D), lambda i: (i, 0))]
    if project_next:
        out_shapes.append(jax.ShapeDtypeStruct((N, DP), jnp.float32))
        out_specs.append(pl.BlockSpec((R, DP), lambda i: (i, 0)))
    return pl.pallas_call(
        body,
        grid=(N // R,),
        in_specs=[
            pl.BlockSpec((NC, R, DP), lambda i: (0, i, 0)),
            pl.BlockSpec((R, D), lambda i: (i, 0)),
            pl.BlockSpec((D, D), lambda i: (0, 0)),
            pl.BlockSpec((1, D), lambda i: (0, 0)),
            pl.BlockSpec((D, D), lambda i: (0, 0)),
        ],
        out_specs=out_specs,
        out_shape=out_shapes,
    )(p, h, wr, bl, wl_next)


def kernel(x, edge_index, Wl0, bl0, Wr0, Wl1, bl1, Wr1):
    src = edge_index[0]
    dst = edge_index[1]
    pad = EPAD - E
    src_p = jnp.concatenate([src, jnp.zeros((pad,), jnp.int32)])
    dst_p = jnp.concatenate([dst, jnp.full((pad,), N, jnp.int32)])
    bl0r = bl0.reshape(1, D)
    bl1r = bl1.reshape(1, D)

    g0 = _tc_project(x, Wl0)
    p0 = _sc_aggregate(g0, src_p, dst_p)
    h1, g1 = _tc_combine(p0, x, Wr0, bl0r, Wl1, relu=True, project_next=True)
    p1 = _sc_aggregate(g1, src_p, dst_p)
    (out,) = _tc_combine(p1, h1, Wr1, bl1r, Wl1, relu=False,
                         project_next=False)
    return out

# --- scband reference (transcript-rebuilt; emitter-appended) ---
"""Pipeline reference for scband-gnnencoder-9294309228756 (READ-ONLY COPY).

The authoritative reference and input builder live on the scoring server;
editing this copy changes nothing except your own understanding.
"""

import jax, jax.numpy as jnp
import numpy as np

N = 10000
E = 320000
D = 128
H = 128


def setup_inputs(seed: int = 0) -> dict:
    key = jax.random.key(seed)
    ks = jax.random.split(key, 9)
    x = jax.random.normal(ks[0], (N, D), dtype=jnp.float32)
    edge_index = jax.random.randint(ks[1], (2, E), 0, N, dtype=jnp.int32)
    s = 1.0 / np.sqrt(D)
    # SAGEConv params per layer: lin_l (neighbor aggr, with bias), lin_r (root, no bias)
    Wl0 = jax.random.normal(ks[2], (D, H), dtype=jnp.float32) * s
    bl0 = jnp.zeros((H,), dtype=jnp.float32)
    Wr0 = jax.random.normal(ks[3], (D, H), dtype=jnp.float32) * s
    Wl1 = jax.random.normal(ks[4], (H, H), dtype=jnp.float32) * s
    bl1 = jnp.zeros((H,), dtype=jnp.float32)
    Wr1 = jax.random.normal(ks[5], (H, H), dtype=jnp.float32) * s
    return {"x": x, "edge_index": edge_index, "Wl0": Wl0, "bl0": bl0, "Wr0": Wr0,
            "Wl1": Wl1, "bl1": bl1, "Wr1": Wr1}


def _mean_aggr(x_src, dst, num_nodes):
    s = jax.ops.segment_sum(x_src, dst, num_segments=num_nodes)
    cnt = jax.ops.segment_sum(jnp.ones((dst.shape[0],), x_src.dtype), dst, num_segments=num_nodes)
    return s / jnp.maximum(cnt, 1.0)[:, None]


def _sage_conv(x, edge_index, Wl, bl, Wr):
    # PyG SAGEConv: out = lin_l(mean_aggr(x_j)) + lin_r(x_root); normalize=True -> L2 normalize
    src = edge_index[0]
    dst = edge_index[1]
    agg = _mean_aggr(jnp.take(x, src, axis=0), dst, x.shape[0])
    out = agg @ Wl + bl + x @ Wr
    norm = jnp.linalg.norm(out, axis=-1, keepdims=True)
    return out / jnp.maximum(norm, 1e-12)


def reference(x, edge_index, Wl0, bl0, Wr0, Wl1, bl1, Wr1):
    h = _sage_conv(x, edge_index, Wl0, bl0, Wr0)
    h = jax.nn.relu(h)  # relu on all but last layer
    h = _sage_conv(h, edge_index, Wl1, bl1, Wr1)
    return h

if __name__ == "__main__":
    import jax
    _d = setup_inputs()
    print(jax.jit(kernel)(*tuple(_d.values())))

</pallas_src>

<mosaic_0001>
#map = affine_map<(d0, d1) -> (0, 0)>
#map1 = affine_map<(d0, d1) -> (0)>
#map2 = affine_map<(d0, d1) -> (0, 0, 0)>
module attributes {stable_mosaic.version = 14 : i64} {
  func.func @_sc_body(%arg0: i32, %arg1: i32, %arg2: memref<10000x144xf32, #tpu.memory_space<hbm>>, %arg3: memref<327680xi32, #tpu.memory_space<hbm>>, %arg4: memref<327680xi32, #tpu.memory_space<hbm>>, %arg5: memref<2x10000x144xf32, #tpu.memory_space<hbm>>, %arg6: memref<1280xi32, #tpu.memory_space<vmem>>, %arg7: memref<1280xi32, #tpu.memory_space<vmem>>, %arg8: memref<128x144xf32, #tpu.memory_space<vmem>>, %arg9: memref<128x144xf32, #tpu.memory_space<vmem>>, %arg10: memref<10008x144xf32, #tpu.memory_space<vmem_shared>>, %arg11: memref<!tpu.dma_semaphore, #tpu.memory_space<semaphore_mem>>, %arg12: memref<!tpu.dma_semaphore, #tpu.memory_space<semaphore_mem>>) attributes {dimension_semantics = [#tpu.dimension_semantics<core_parallel>, #tpu.dimension_semantics<subcore_parallel>], iteration_bounds = array<i64: 2, 16>, scalar_prefetch = 0 : i64, scratch_operands = 7 : i64, tpu.core_type = #tpu.core_type<sc_vector_subcore>, window_params = [{transform_indices = #map}, {transform_indices = #map1}, {transform_indices = #map1}, {transform_indices = #map2}]} {
    %eq3A = arith.constant 0 : i32
    %eq3A_0 = arith.cmpi eq, %arg0, %eq3A : i32
    %mul3A = arith.constant 19200 : i32
    %mul3A_1 = arith.muli %arg1, %mul3A : i32
    %mul3A_2 = arith.constant 1280 : i32
    %mul3A_3 = arith.muli %arg1, %mul3A_2 : i32
    %add3A = arith.constant 307200 : i32
    %add3A_4 = arith.addi %add3A, %mul3A_3 : i32
    %select_n3A = arith.select %eq3A_0, %mul3A_1, %add3A_4 : i32
    %eq3A_5 = arith.constant 0 : i32
    %eq3A_6 = arith.cmpi eq, %arg0, %eq3A_5 : i32
    %jit3A = arith.constant 150 : i32
    %jit3A_7 = arith.constant 10 : i32
    %select_n3A_8 = arith.select %eq3A_6, %jit3A, %jit3A_7 : i32
    "tpu.trace_start"() <{level = 10 : i32, message = "zero_phase"}> : () -> ()
    %scan3A = arith.constant 0 : i32
    %scan3A_9 = arith.constant 0 : i32
    %scan3A_10 = arith.constant 1152 : i32
    %scan3A_11 = arith.addi %scan3A_9, %scan3A_10 : i32
    %scan3A_12 = arith.constant 1 : i32
    %scan3A_13 = scf.for %scan3A_60 = %scan3A_9 to %scan3A_11 step %scan3A_12 iter_args(%scan3A_61 = %scan3A) -> (i32)  : i32 {
      %jit3A_62 = arith.constant 9 : i32
      %div3A_63 = arith.divsi %scan3A_60, %jit3A_62 : i32
      %sign3A_64 = arith.constant 0 : i32
      %sign3A_65 = arith.cmpi sgt, %scan3A_60, %sign3A_64 : i32
      %sign3A_66 = arith.extui %sign3A_65 : i1 to i32
      %sign3A_67 = arith.constant 0 : i32
      %sign3A_68 = arith.cmpi slt, %scan3A_60, %sign3A_67 : i32
      %sign3A_69 = arith.extui %sign3A_68 : i1 to i32
      %sign3A_70 = arith.subi %sign3A_66, %sign3A_69 : i32
      %sign3A_71 = arith.constant 0 : i32
      %sign3A_72 = arith.cmpi sgt, %jit3A_62, %sign3A_71 : i32
      %sign3A_73 = arith.extui %sign3A_72 : i1 to i32
      %sign3A_74 = arith.constant 0 : i32
      %sign3A_75 = arith.cmpi slt, %jit3A_62, %sign3A_74 : i32
      %sign3A_76 = arith.extui %sign3A_75 : i1 to i32
      %sign3A_77 = arith.subi %sign3A_73, %sign3A_76 : i32
      %ne3A_78 = arith.cmpi ne, %sign3A_70, %sign3A_77 : i32
      %rem3A_79 = arith.remsi %scan3A_60, %jit3A_62 : i32
      %ne3A_80 = arith.constant 0 : i32
      %ne3A_81 = arith.cmpi ne, %rem3A_79, %ne3A_80 : i32
      %and3A_82 = arith.andi %ne3A_78, %ne3A_81 : i1
      %sub3A_83 = arith.constant 1 : i32
      %sub3A_84 = arith.subi %div3A_63, %sub3A_83 : i32
      %select_n3A_85 = arith.select %and3A_82, %sub3A_84, %div3A_63 : i32
      %jit3A_86 = arith.constant 9 : i32
      %eq3A_87 = arith.constant 0 : i32
      %eq3A_88 = arith.cmpi eq, %jit3A_86, %eq3A_87 : i32
      %jit3A_89 = arith.constant 1 : i32
      %select_n3A_90 = arith.select %eq3A_88, %jit3A_89, %jit3A_86 : i32
      %rem3A_91 = arith.remsi %scan3A_60, %select_n3A_90 : i32
      %ne3A_92 = arith.constant 0 : i32
      %ne3A_93 = arith.cmpi ne, %rem3A_91, %ne3A_92 : i32
      %lt3A = arith.constant 0 : i32
      %lt3A_94 = arith.cmpi slt, %rem3A_91, %lt3A : i32
      %lt3A_95 = arith.constant 0 : i32
      %lt3A_96 = arith.cmpi slt, %select_n3A_90, %lt3A_95 : i32
      %ne3A_97 = arith.xori %lt3A_94, %lt3A_96 : i1
      %and3A_98 = arith.andi %ne3A_97, %ne3A_93 : i1
      %add3A_99 = arith.addi %rem3A_91, %select_n3A_90 : i32
      %select_n3A_100 = arith.select %and3A_98, %add3A_99, %rem3A_91 : i32
      %broadcast_in_dim3A = arith.constant 0.000000e+00 : f32
      %broadcast_in_dim3A_101 = vector.broadcast %broadcast_in_dim3A : f32 to vector<16xf32>
      %mul3A_102 = arith.constant 16 : i32
      %mul3A_103 = arith.muli %select_n3A_100, %mul3A_102 : i32
      %swap3A = arith.index_cast %select_n3A_85 : i32 to index
      %swap3A_104 = arith.index_cast %mul3A_103 : i32 to index
      %swap3A_105 = tpu.vector_load %arg8[%swap3A, %swap3A_104] {strides = array<i32>} : memref<128x144xf32, #tpu.memory_space<vmem>>, vector<1x16xf32>,
      %swap3A_106 = vector.shape_cast %swap3A_105 : vector<1x16xf32> to vector<16xf32>
      %swap3A_107 = vector.shape_cast %broadcast_in_dim3A_101 : vector<16xf32> to vector<1x16xf32>
      tpu.vector_store %arg8[%swap3A, %swap3A_104], %swap3A_107 {strides = array<i32>} : memref<128x144xf32, #tpu.memory_space<vmem>>, vector<1x16xf32>,
      %scan3A_108 = arith.constant 0 : i32
      scf.yield %scan3A_108 : i32
    }
    %scan3A_14 = arith.constant 1152 : i32
    %mul3A_15 = arith.constant 625 : i32
    %mul3A_16 = arith.muli %arg1, %mul3A_15 : i32
    %scan3A_17 = arith.constant 0 : i32
    %scan3A_18 = arith.constant 0 : i32
    %scan3A_19 = arith.constant 4 : i32
    %scan3A_20 = arith.addi %scan3A_18, %scan3A_19 : i32
    %scan3A_21 = arith.constant 1 : i32
    %scan3A_22 = scf.for %scan3A_60 = %scan3A_18 to %scan3A_20 step %scan3A_21 iter_args(%scan3A_61 = %scan3A_17) -> (i32)  : i32 {
      %mul3A_62 = arith.constant 128 : i32
      %mul3A_63 = arith.muli %scan3A_60, %mul3A_62 : i32
      %add3A_64 = arith.addi %mul3A_16, %mul3A_63 : i32
      "tpu.region"() ({
        %run_scoped3A = tpu.sem_alloc : memref<!tpu.dma_semaphore, #tpu.memory_space<semaphore_mem>>
        %dma_start3A = arith.constant 0 : i32
        %dma_start3A_66 = tpu.memref_slice %arg10[%add3A_64, %dma_start3A] : memref<10008x144xf32, #tpu.memory_space<vmem_shared>> -> memref<128x144xf32, #tpu.memory_space<vmem_shared>>
        %dma_start3A_67 = arith.constant 0 : i32
        %dma_start3A_68 = tpu.memref_slice %arg10[%add3A_64, %dma_start3A_67] : memref<10008x144xf32, #tpu.memory_space<vmem_shared>> -> memref<128x144xf32, #tpu.memory_space<vmem_shared>>
        tpu.enqueue_dma source(%arg8 : memref<128x144xf32, #tpu.memory_space<vmem>>) target(%dma_start3A_68 : memref<128x144xf32, #tpu.memory_space<vmem_shared>>) target_semaphore(%run_scoped3A : memref<!tpu.dma_semaphore, #tpu.memory_space<semaphore_mem>>)
        %dma_wait3A = arith.constant 0 : i32
        %dma_wait3A_69 = tpu.memref_slice %arg10[%add3A_64, %dma_wait3A] : memref<10008x144xf32, #tpu.memory_space<vmem_shared>> -> memref<128x144xf32, #tpu.memory_space<vmem_shared>>
        %dma_wait3A_70 = arith.constant 0 : i32
        %dma_wait3A_71 = tpu.memref_slice %arg10[%add3A_64, %dma_wait3A_70] : memref<10008x144xf32, #tpu.memory_space<vmem_shared>> -> memref<128x144xf32, #tpu.memory_space<vmem_shared>>
        tpu.wait_dma2 semaphore(%run_scoped3A : memref<!tpu.dma_semaphore, #tpu.memory_space<semaphore_mem>>) src(%arg8 : memref<128x144xf32, #tpu.memory_space<vmem>>) dst(%dma_wait3A_71 : memref<128x144xf32, #tpu.memory_space<vmem_shared>>)
        tpu.yield
      }) : () -> ()
      %scan3A_65 = arith.constant 0 : i32
      scf.yield %scan3A_65 : i32
    }
    %scan3A_23 = arith.constant 4 : i32
    %add3A_24 = arith.constant 512 : i32
    %add3A_25 = arith.addi %mul3A_16, %add3A_24 : i32
    "tpu.region"() ({
      %run_scoped3A = tpu.sem_alloc : memref<!tpu.dma_semaphore, #tpu.memory_space<semaphore_mem>>
      %dma_start3A = arith.constant 0 : i32
      %dma_start3A_60 = arith.constant 0 : i32
      %dma_start3A_61 = tpu.memref_slice %arg8[%dma_start3A, %dma_start3A_60] : memref<128x144xf32, #tpu.memory_space<vmem>> -> memref<113x144xf32, #tpu.memory_space<vmem>>
      %dma_start3A_62 = arith.constant 0 : i32
      %dma_start3A_63 = tpu.memref_slice %arg10[%add3A_25, %dma_start3A_62] : memref<10008x144xf32, #tpu.memory_space<vmem_shared>> -> memref<113x144xf32, #tpu.memory_space<vmem_shared>>
      %dma_start3A_64 = arith.constant 0 : i32
      %dma_start3A_65 = tpu.memref_slice %arg10[%add3A_25, %dma_start3A_64] : memref<10008x144xf32, #tpu.memory_space<vmem_shared>> -> memref<113x144xf32, #tpu.memory_space<vmem_shared>>
      %dma_start3A_66 = arith.constant 0 : i32
      %dma_start3A_67 = arith.constant 0 : i32
      %dma_start3A_68 = tpu.memref_slice %arg8[%dma_start3A_66, %dma_start3A_67] : memref<128x144xf32, #tpu.memory_space<vmem>> -> memref<113x144xf32, #tpu.memory_space<vmem>>
      tpu.enqueue_dma source(%dma_start3A_68 : memref<113x144xf32, #tpu.memory_space<vmem>>) target(%dma_start3A_65 : memref<113x144xf32, #tpu.memory_space<vmem_shared>>) target_semaphore(%run_scoped3A : memref<!tpu.dma_semaphore, #tpu.memory_space<semaphore_mem>>)
      %dma_wait3A = arith.constant 0 : i32
      %dma_wait3A_69 = arith.constant 0 : i32
      %dma_wait3A_70 = tpu.memref_slice %arg8[%dma_wait3A, %dma_wait3A_69] : memref<128x144xf32, #tpu.memory_space<vmem>> -> memref<113x144xf32, #tpu.memory_space<vmem>>
      %dma_wait3A_71 = arith.constant 0 : i32
      %dma_wait3A_72 = tpu.memref_slice %arg10[%add3A_25, %dma_wait3A_71] : memref<10008x144xf32, #tpu.memory_space<vmem_shared>> -> memref<113x144xf32, #tpu.memory_space<vmem_shared>>
      %dma_wait3A_73 = arith.constant 0 : i32
      %dma_wait3A_74 = tpu.memref_slice %arg10[%add3A_25, %dma_wait3A_73] : memref<10008x144xf32, #tpu.memory_space<vmem_shared>> -> memref<113x144xf32, #tpu.memory_space<vmem_shared>>
      %dma_wait3A_75 = arith.constant 0 : i32
      %dma_wait3A_76 = arith.constant 0 : i32
      %dma_wait3A_77 = tpu.memref_slice %arg8[%dma_wait3A_75, %dma_wait3A_76] : memref<128x144xf32, #tpu.memory_space<vmem>> -> memref<113x144xf32, #tpu.memory_space<vmem>>
      tpu.wait_dma2 semaphore(%run_scoped3A : memref<!tpu.dma_semaphore, #tpu.memory_space<semaphore_mem>>) src(%dma_wait3A_77 : memref<113x144xf32, #tpu.memory_space<vmem>>) dst(%dma_wait3A_74 : memref<113x144xf32, #tpu.memory_space<vmem_shared>>)
      tpu.yield
    }) : () -> ()
    %barrier3A = arith.constant 0 : index
    tpu.barrier barrier_id(%barrier3A)
    %jit3A_26 = arith.constant 10 : i32
    "tpu.trace_stop"() : () -> ()
    "tpu.trace_start"() <{level = 10 : i32, message = "accumulate"}> : () -> ()
    %div3A = arith.divsi %select_n3A_8, %jit3A_26 : i32
    %sign3A = arith.constant 0 : i32
    %sign3A_27 = arith.cmpi sgt, %select_n3A_8, %sign3A : i32
    %sign3A_28 = arith.extui %sign3A_27 : i1 to i32
    %sign3A_29 = arith.constant 0 : i32
    %sign3A_30 = arith.cmpi slt, %select_n3A_8, %sign3A_29 : i32
    %sign3A_31 = arith.extui %sign3A_30 : i1 to i32
    %sign3A_32 = arith.subi %sign3A_28, %sign3A_31 : i32
    %sign3A_33 = arith.constant 0 : i32
    %sign3A_34 = arith.cmpi sgt, %jit3A_26, %sign3A_33 : i32
    %sign3A_35 = arith.extui %sign3A_34 : i1 to i32
    %sign3A_36 = arith.constant 0 : i32
    %sign3A_37 = arith.cmpi slt, %jit3A_26, %sign3A_36 : i32
    %sign3A_38 = arith.extui %sign3A_37 : i1 to i32
    %sign3A_39 = arith.subi %sign3A_35, %sign3A_38 : i32
    %ne3A = arith.cmpi ne, %sign3A_32, %sign3A_39 : i32
    %rem3A = arith.remsi %select_n3A_8, %jit3A_26 : i32
    %ne3A_40 = arith.constant 0 : i32
    %ne3A_41 = arith.cmpi ne, %rem3A, %ne3A_40 : i32
    %and3A = arith.andi %ne3A, %ne3A_41 : i1
    %sub3A = arith.constant 1 : i32
    %sub3A_42 = arith.subi %div3A, %sub3A : i32
    %select_n3A_43 = arith.select %and3A, %sub3A_42, %div3A : i32
    %while3A = arith.constant 0 : i32
    %while3A_44 = arith.constant 0 : i32
    %while3A_45 = arith.subi %select_n3A_43, %while3A : i32
    %while3A_46 = arith.addi %while3A, %while3A_45 : i32
    %while3A_47 = arith.constant 1 : i32
    %while3A_48 = arith.divsi %while3A_45, %while3A_47 : i32
    %while3A_49 = arith.muli %while3A_48, %while3A_47 : i32
    %while3A_50 = arith.addi %while3A, %while3A_49 : i32
    %while3A_51 = arith.constant 1 : i32
    %while3A_52 = scf.for %while3A_60 = %while3A to %while3A_50 step %while3A_51 iter_args(%while3A_61 = %while3A_44) -> (i32)  : i32 {
      %mul3A_62 = arith.constant 1280 : i32
      %mul3A_63 = arith.muli %while3A_60, %mul3A_62 : i32
      %add3A_64 = arith.addi %select_n3A, %mul3A_63 : i32
      "tpu.region"() ({
        %run_scoped3A = tpu.sem_alloc : memref<!tpu.dma_semaphore, #tpu.memory_space<semaphore_mem>>
        %dma_start3A_77 = tpu.memref_slice %arg3[%add3A_64] : memref<327680xi32, #tpu.memory_space<hbm>> -> memref<1280xi32, #tpu.memory_space<hbm>>
        %dma_start3A_78 = tpu.memref_slice %arg3[%add3A_64] : memref<327680xi32, #tpu.memory_space<hbm>> -> memref<1280xi32, #tpu.memory_space<hbm>>
        tpu.enqueue_dma source(%dma_start3A_78 : memref<1280xi32, #tpu.memory_space<hbm>>) target(%arg6 : memref<1280xi32, #tpu.memory_space<vmem>>) target_semaphore(%run_scoped3A : memref<!tpu.dma_semaphore, #tpu.memory_space<semaphore_mem>>)
        %dma_wait3A = tpu.memref_slice %arg3[%add3A_64] : memref<327680xi32, #tpu.memory_space<hbm>> -> memref<1280xi32, #tpu.memory_space<hbm>>
        %dma_wait3A_79 = tpu.memref_slice %arg3[%add3A_64] : memref<327680xi32, #tpu.memory_space<hbm>> -> memref<1280xi32, #tpu.memory_space<hbm>>
        tpu.wait_dma2 semaphore(%run_scoped3A : memref<!tpu.dma_semaphore, #tpu.memory_space<semaphore_mem>>) src(%dma_wait3A_79 : memref<1280xi32, #tpu.memory_space<hbm>>) dst(%arg6 : memref<1280xi32, #tpu.memory_space<vmem>>)
        tpu.yield
      }) : () -> ()
      "tpu.region"() ({
        %run_scoped3A = tpu.sem_alloc : memref<!tpu.dma_semaphore, #tpu.memory_space<semaphore_mem>>
        %dma_start3A_77 = tpu.memref_slice %arg4[%add3A_64] : memref<327680xi32, #tpu.memory_space<hbm>> -> memref<1280xi32, #tpu.memory_space<hbm>>
        %dma_start3A_78 = tpu.memref_slice %arg4[%add3A_64] : memref<327680xi32, #tpu.memory_space<hbm>> -> memref<1280xi32, #tpu.memory_space<hbm>>
        tpu.enqueue_dma source(%dma_start3A_78 : memref<1280xi32, #tpu.memory_space<hbm>>) target(%arg7 : memref<1280xi32, #tpu.memory_space<vmem>>) target_semaphore(%run_scoped3A : memref<!tpu.dma_semaphore, #tpu.memory_space<semaphore_mem>>)
        %dma_wait3A = tpu.memref_slice %arg4[%add3A_64] : memref<327680xi32, #tpu.memory_space<hbm>> -> memref<1280xi32, #tpu.memory_space<hbm>>
        %dma_wait3A_79 = tpu.memref_slice %arg4[%add3A_64] : memref<327680xi32, #tpu.memory_space<hbm>> -> memref<1280xi32, #tpu.memory_space<hbm>>
        tpu.wait_dma2 semaphore(%run_scoped3A : memref<!tpu.dma_semaphore, #tpu.memory_space<semaphore_mem>>) src(%dma_wait3A_79 : memref<1280xi32, #tpu.memory_space<hbm>>) dst(%arg7 : memref<1280xi32, #tpu.memory_space<vmem>>)
        tpu.yield
      }) : () -> ()
      %dma_start3A = arith.constant 0 : i32
      %dma_start3A_65 = tpu.memref_slice %arg6[%dma_start3A] : memref<1280xi32, #tpu.memory_space<vmem>> -> memref<128xi32, #tpu.memory_space<vmem>>
      %dma_start3A_66 = arith.constant 0 : i32
      %dma_start3A_67 = arith.constant 0 : i32
      %dma_start3A_68 = tpu.memref_slice %arg2[%dma_start3A_66, %dma_start3A_67] : memref<10000x144xf32, #tpu.memory_space<hbm>> -> memref<10000x144xf32, #tpu.memory_space<hbm>>
      tpu.enqueue_indirect_dma source(%dma_start3A_68 : memref<10000x144xf32, #tpu.memory_space<hbm>>) target(%arg8 : memref<128x144xf32, #tpu.memory_space<vmem>>) offsets(%dma_start3A_65 : memref<128xi32, #tpu.memory_space<vmem>>) semaphore(%arg11 : memref<!tpu.dma_semaphore, #tpu.memory_space<semaphore_mem>>)
      %scan3A_69 = arith.constant 0 : i32
      %scan3A_70 = arith.constant 0 : i32
      %scan3A_71 = arith.constant 5 : i32
      %scan3A_72 = arith.addi %scan3A_70, %scan3A_71 : i32
      %scan3A_73 = arith.constant 1 : i32
      %scan3A_74 = scf.for %scan3A_77 = %scan3A_70 to %scan3A_72 step %scan3A_73 iter_args(%scan3A_78 = %scan3A_69) -> (i32)  : i32 {
        %mul3A_79 = arith.constant 2 : i32
        %mul3A_80 = arith.muli %scan3A_77, %mul3A_79 : i32
        %add3A_81 = arith.constant 0 : i32
        %add3A_82 = arith.addi %mul3A_80, %add3A_81 : i32
        %add3A_83 = arith.constant 1 : i32
        %add3A_84 = arith.addi %add3A_82, %add3A_83 : i32
        %mul3A_85 = arith.constant 128 : i32
        %mul3A_86 = arith.muli %add3A_84, %mul3A_85 : i32
        %dma_start3A_87 = tpu.memref_slice %arg6[%mul3A_86] : memref<1280xi32, #tpu.memory_space<vmem>> -> memref<128xi32, #tpu.memory_space<vmem>>
        %dma_start3A_88 = arith.constant 0 : i32
        %dma_start3A_89 = arith.constant 0 : i32
        %dma_start3A_90 = tpu.memref_slice %arg2[%dma_start3A_88, %dma_start3A_89] : memref<10000x144xf32, #tpu.memory_space<hbm>> -> memref<10000x144xf32, #tpu.memory_space<hbm>>
        tpu.enqueue_indirect_dma source(%dma_start3A_90 : memref<10000x144xf32, #tpu.memory_space<hbm>>) target(%arg9 : memref<128x144xf32, #tpu.memory_space<vmem>>) offsets(%dma_start3A_87 : memref<128xi32, #tpu.memory_space<vmem>>) semaphore(%arg12 : memref<!tpu.dma_semaphore, #tpu.memory_space<semaphore_mem>>)
        %mul3A_91 = arith.constant 128 : i32
        %mul3A_92 = arith.muli %add3A_82, %mul3A_91 : i32
        %dma_wait3A = tpu.memref_slice %arg6[%mul3A_92] : memref<1280xi32, #tpu.memory_space<vmem>> -> memref<128xi32, #tpu.memory_space<vmem>>
        %dma_wait3A_93 = arith.constant 0 : i32
        %dma_wait3A_94 = arith.constant 0 : i32
        %dma_wait3A_95 = tpu.memref_slice %arg2[%dma_wait3A_93, %dma_wait3A_94] : memref<10000x144xf32, #tpu.memory_space<hbm>> -> memref<10000x144xf32, #tpu.memory_space<hbm>>
        tpu.wait_indirect_dma semaphore(%arg11 : memref<!tpu.dma_semaphore, #tpu.memory_space<semaphore_mem>>) src(%dma_wait3A_95 : memref<10000x144xf32, #tpu.memory_space<hbm>>) dst(%arg8 : memref<128x144xf32, #tpu.memory_space<vmem>>)
        %mul3A_96 = arith.constant 128 : i32
        %mul3A_97 = arith.muli %add3A_82, %mul3A_96 : i32
        "tpu.region"() ({
          %run_scoped3A = tpu.sem_alloc : memref<!tpu.dma_semaphore, #tpu.memory_space<semaphore_mem>>
          %dma_start3A_115 = tpu.memref_slice %arg7[%mul3A_97] : memref<1280xi32, #tpu.memory_space<vmem>> -> memref<128xi32, #tpu.memory_space<vmem>>
          %dma_start3A_116 = arith.constant 0 : i32
          %dma_start3A_117 = arith.constant 0 : i32
          %dma_start3A_118 = tpu.memref_slice %arg10[%dma_start3A_116, %dma_start3A_117] : memref<10008x144xf32, #tpu.memory_space<vmem_shared>> -> memref<10008x144xf32, #tpu.memory_space<vmem_shared>>
          tpu.enqueue_indirect_dma source(%arg8 : memref<128x144xf32, #tpu.memory_space<vmem>>) target(%dma_start3A_118 : memref<10008x144xf32, #tpu.memory_space<vmem_shared>>) offsets(%dma_start3A_115 : memref<128xi32, #tpu.memory_space<vmem>>) semaphore(%run_scoped3A : memref<!tpu.dma_semaphore, #tpu.memory_space<semaphore_mem>>) {add = true}
          %dma_wait3A_119 = tpu.memref_slice %arg7[%mul3A_97] : memref<1280xi32, #tpu.memory_space<vmem>> -> memref<128xi32, #tpu.memory_space<vmem>>
          %dma_wait3A_120 = arith.constant 0 : i32
          %dma_wait3A_121 = arith.constant 0 : i32
          %dma_wait3A_122 = tpu.memref_slice %arg10[%dma_wait3A_120, %dma_wait3A_121] : memref<10008x144xf32, #tpu.memory_space<vmem_shared>> -> memref<10008x144xf32, #tpu.memory_space<vmem_shared>>
          tpu.wait_indirect_dma semaphore(%run_scoped3A : memref<!tpu.dma_semaphore, #tpu.memory_space<semaphore_mem>>) src(%arg8 : memref<128x144xf32, #tpu.memory_space<vmem>>) dst(%dma_wait3A_122 : memref<10008x144xf32, #tpu.memory_space<vmem_shared>>)
          tpu.yield
        }) : () -> ()
        %mul3A_98 = arith.constant 2 : i32
        %mul3A_99 = arith.muli %scan3A_77, %mul3A_98 : i32
        %add3A_100 = arith.constant 1 : i32
        %add3A_101 = arith.addi %mul3A_99, %add3A_100 : i32
        %add3A_102 = arith.constant 1 : i32
        %add3A_103 = arith.addi %add3A_101, %add3A_102 : i32
        %lt3A = arith.constant 10 : i32
        %lt3A_104 = arith.cmpi slt, %add3A_103, %lt3A : i32
        %convert_element_type3A = arith.extui %lt3A_104 : i1 to i32
        %cond3A = arith.constant 0 : i32
        %cond3A_105 = arith.cmpi ne, %convert_element_type3A, %cond3A : i32
        scf.if %cond3A_105 {
          %add3A_115 = arith.constant 1 : i32
          %add3A_116 = arith.addi %add3A_101, %add3A_115 : i32
          %mul3A_117 = arith.constant 128 : i32
          %mul3A_118 = arith.muli %add3A_116, %mul3A_117 : i32
          %dma_start3A_119 = tpu.memref_slice %arg6[%mul3A_118] : memref<1280xi32, #tpu.memory_space<vmem>> -> memref<128xi32, #tpu.memory_space<vmem>>
          %dma_start3A_120 = arith.constant 0 : i32
          %dma_start3A_121 = arith.constant 0 : i32
          %dma_start3A_122 = tpu.memref_slice %arg2[%dma_start3A_120, %dma_start3A_121] : memref<10000x144xf32, #tpu.memory_space<hbm>> -> memref<10000x144xf32, #tpu.memory_space<hbm>>
          tpu.enqueue_indirect_dma source(%dma_start3A_122 : memref<10000x144xf32, #tpu.memory_space<hbm>>) target(%arg8 : memref<128x144xf32, #tpu.memory_space<vmem>>) offsets(%dma_start3A_119 : memref<128xi32, #tpu.memory_space<vmem>>) semaphore(%arg11 : memref<!tpu.dma_semaphore, #tpu.memory_space<semaphore_mem>>)
        } else {
        }
        %mul3A_106 = arith.constant 128 : i32
        %mul3A_107 = arith.muli %add3A_101, %mul3A_106 : i32
        %dma_wait3A_108 = tpu.memref_slice %arg6[%mul3A_107] : memref<1280xi32, #tpu.memory_space<vmem>> -> memref<128xi32, #tpu.memory_space<vmem>>
        %dma_wait3A_109 = arith.constant 0 : i32
        %dma_wait3A_110 = arith.constant 0 : i32
        %dma_wait3A_111 = tpu.memref_slice %arg2[%dma_wait3A_109, %dma_wait3A_110] : memref<10000x144xf32, #tpu.memory_space<hbm>> -> memref<10000x144xf32, #tpu.memory_space<hbm>>
        tpu.wait_indirect_dma semaphore(%arg12 : memref<!tpu.dma_semaphore, #tpu.memory_space<semaphore_mem>>) src(%dma_wait3A_111 : memref<10000x144xf32, #tpu.memory_space<hbm>>) dst(%arg9 : memref<128x144xf32, #tpu.memory_space<vmem>>)
        %mul3A_112 = arith.constant 128 : i32
        %mul3A_113 = arith.muli %add3A_101, %mul3A_112 : i32
        "tpu.region"() ({
          %run_scoped3A = tpu.sem_alloc : memref<!tpu.dma_semaphore, #tpu.memory_space<semaphore_mem>>
          %dma_start3A_115 = tpu.memref_slice %arg7[%mul3A_113] : memref<1280xi32, #tpu.memory_space<vmem>> -> memref<128xi32, #tpu.memory_space<vmem>>
          %dma_start3A_116 = arith.constant 0 : i32
          %dma_start3A_117 = arith.constant 0 : i32
          %dma_start3A_118 = tpu.memref_slice %arg10[%dma_start3A_116, %dma_start3A_117] : memref<10008x144xf32, #tpu.memory_space<vmem_shared>> -> memref<10008x144xf32, #tpu.memory_space<vmem_shared>>
          tpu.enqueue_indirect_dma source(%arg9 : memref<128x144xf32, #tpu.memory_space<vmem>>) target(%dma_start3A_118 : memref<10008x144xf32, #tpu.memory_space<vmem_shared>>) offsets(%dma_start3A_115 : memref<128xi32, #tpu.memory_space<vmem>>) semaphore(%run_scoped3A : memref<!tpu.dma_semaphore, #tpu.memory_space<semaphore_mem>>) {add = true}
          %dma_wait3A_119 = tpu.memref_slice %arg7[%mul3A_113] : memref<1280xi32, #tpu.memory_space<vmem>> -> memref<128xi32, #tpu.memory_space<vmem>>
          %dma_wait3A_120 = arith.constant 0 : i32
          %dma_wait3A_121 = arith.constant 0 : i32
          %dma_wait3A_122 = tpu.memref_slice %arg10[%dma_wait3A_120, %dma_wait3A_121] : memref<10008x144xf32, #tpu.memory_space<vmem_shared>> -> memref<10008x144xf32, #tpu.memory_space<vmem_shared>>
          tpu.wait_indirect_dma semaphore(%run_scoped3A : memref<!tpu.dma_semaphore, #tpu.memory_space<semaphore_mem>>) src(%arg9 : memref<128x144xf32, #tpu.memory_space<vmem>>) dst(%dma_wait3A_122 : memref<10008x144xf32, #tpu.memory_space<vmem_shared>>)
          tpu.yield
        }) : () -> ()
        %scan3A_114 = arith.constant 0 : i32
        scf.yield %scan3A_114 : i32
      }
      %scan3A_75 = arith.constant 5 : i32
      %while3A_76 = arith.constant 0 : i32
      scf.yield %while3A_76 : i32
    }
    %while3A_53 = arith.constant 1 : i32
    %while3A_54 = scf.for %while3A_60 = %while3A_50 to %while3A_46 step %while3A_53 iter_args(%while3A_61 = %while3A_52) -> (i32)  : i32 {
      %mul3A_62 = arith.constant 1280 : i32
      %mul3A_63 = arith.muli %while3A_60, %mul3A_62 : i32
      %add3A_64 = arith.addi %select_n3A, %mul3A_63 : i32
      "tpu.region"() ({
        %run_scoped3A = tpu.sem_alloc : memref<!tpu.dma_semaphore, #tpu.memory_space<semaphore_mem>>
        %dma_start3A_77 = tpu.memref_slice %arg3[%add3A_64] : memref<327680xi32, #tpu.memory_space<hbm>> -> memref<1280xi32, #tpu.memory_space<hbm>>
        %dma_start3A_78 = tpu.memref_slice %arg3[%add3A_64] : memref<327680xi32, #tpu.memory_space<hbm>> -> memref<1280xi32, #tpu.memory_space<hbm>>
        tpu.enqueue_dma source(%dma_start3A_78 : memref<1280xi32, #tpu.memory_space<hbm>>) target(%arg6 : memref<1280xi32, #tpu.memory_space<vmem>>) target_semaphore(%run_scoped3A : memref<!tpu.dma_semaphore, #tpu.memory_space<semaphore_mem>>)
        %dma_wait3A = tpu.memref_slice %arg3[%add3A_64] : memref<327680xi32, #tpu.memory_space<hbm>> -> memref<1280xi32, #tpu.memory_space<hbm>>
        %dma_wait3A_79 = tpu.memref_slice %arg3[%add3A_64] : memref<327680xi32, #tpu.memory_space<hbm>> -> memref<1280xi32, #tpu.memory_space<hbm>>
        tpu.wait_dma2 semaphore(%run_scoped3A : memref<!tpu.dma_semaphore, #tpu.memory_space<semaphore_mem>>) src(%dma_wait3A_79 : memref<1280xi32, #tpu.memory_space<hbm>>) dst(%arg6 : memref<1280xi32, #tpu.memory_space<vmem>>)
        tpu.yield
      }) : () -> ()
      "tpu.region"() ({
        %run_scoped3A = tpu.sem_alloc : memref<!tpu.dma_semaphore, #tpu.memory_space<semaphore_mem>>
        %dma_start3A_77 = tpu.memref_slice %arg4[%add3A_64] : memref<327680xi32, #tpu.memory_space<hbm>> -> memref<1280xi32, #tpu.memory_space<hbm>>
        %dma_start3A_78 = tpu.memref_slice %arg4[%add3A_64] : memref<327680xi32, #tpu.memory_space<hbm>> -> memref<1280xi32, #tpu.memory_space<hbm>>
        tpu.enqueue_dma source(%dma_start3A_78 : memref<1280xi32, #tpu.memory_space<hbm>>) target(%arg7 : memref<1280xi32, #tpu.memory_space<vmem>>) target_semaphore(%run_scoped3A : memref<!tpu.dma_semaphore, #tpu.memory_space<semaphore_mem>>)
        %dma_wait3A = tpu.memref_slice %arg4[%add3A_64] : memref<327680xi32, #tpu.memory_space<hbm>> -> memref<1280xi32, #tpu.memory_space<hbm>>
        %dma_wait3A_79 = tpu.memref_slice %arg4[%add3A_64] : memref<327680xi32, #tpu.memory_space<hbm>> -> memref<1280xi32, #tpu.memory_space<hbm>>
        tpu.wait_dma2 semaphore(%run_scoped3A : memref<!tpu.dma_semaphore, #tpu.memory_space<semaphore_mem>>) src(%dma_wait3A_79 : memref<1280xi32, #tpu.memory_space<hbm>>) dst(%arg7 : memref<1280xi32, #tpu.memory_space<vmem>>)
        tpu.yield
      }) : () -> ()
      %dma_start3A = arith.constant 0 : i32
      %dma_start3A_65 = tpu.memref_slice %arg6[%dma_start3A] : memref<1280xi32, #tpu.memory_space<vmem>> -> memref<128xi32, #tpu.memory_space<vmem>>
      %dma_start3A_66 = arith.constant 0 : i32
      %dma_start3A_67 = arith.constant 0 : i32
      %dma_start3A_68 = tpu.memref_slice %arg2[%dma_start3A_66, %dma_start3A_67] : memref<10000x144xf32, #tpu.memory_space<hbm>> -> memref<10000x144xf32, #tpu.memory_space<hbm>>
      tpu.enqueue_indirect_dma source(%dma_start3A_68 : memref<10000x144xf32, #tpu.memory_space<hbm>>) target(%arg8 : memref<128x144xf32, #tpu.memory_space<vmem>>) offsets(%dma_start3A_65 : memref<128xi32, #tpu.memory_space<vmem>>) semaphore(%arg11 : memref<!tpu.dma_semaphore, #tpu.memory_space<semaphore_mem>>)
      %scan3A_69 = arith.constant 0 : i32
      %scan3A_70 = arith.constant 0 : i32
      %scan3A_71 = arith.constant 5 : i32
      %scan3A_72 = arith.addi %scan3A_70, %scan3A_71 : i32
      %scan3A_73 = arith.constant 1 : i32
      %scan3A_74 = scf.for %scan3A_77 = %scan3A_70 to %scan3A_72 step %scan3A_73 iter_args(%scan3A_78 = %scan3A_69) -> (i32)  : i32 {
        %mul3A_79 = arith.constant 2 : i32
        %mul3A_80 = arith.muli %scan3A_77, %mul3A_79 : i32
        %add3A_81 = arith.constant 0 : i32
        %add3A_82 = arith.addi %mul3A_80, %add3A_81 : i32
        %add3A_83 = arith.constant 1 : i32
        %add3A_84 = arith.addi %add3A_82, %add3A_83 : i32
        %mul3A_85 = arith.constant 128 : i32
        %mul3A_86 = arith.muli %add3A_84, %mul3A_85 : i32
        %dma_start3A_87 = tpu.memref_slice %arg6[%mul3A_86] : memref<1280xi32, #tpu.memory_space<vmem>> -> memref<128xi32, #tpu.memory_space<vmem>>
        %dma_start3A_88 = arith.constant 0 : i32
        %dma_start3A_89 = arith.constant 0 : i32
        %dma_start3A_90 = tpu.memref_slice %arg2[%dma_start3A_88, %dma_start3A_89] : memref<10000x144xf32, #tpu.memory_space<hbm>> -> memref<10000x144xf32, #tpu.memory_space<hbm>>
        tpu.enqueue_indirect_dma source(%dma_start3A_90 : memref<10000x144xf32, #tpu.memory_space<hbm>>) target(%arg9 : memref<128x144xf32, #tpu.memory_space<vmem>>) offsets(%dma_start3A_87 : memref<128xi32, #tpu.memory_space<vmem>>) semaphore(%arg12 : memref<!tpu.dma_semaphore, #tpu.memory_space<semaphore_mem>>)
        %mul3A_91 = arith.constant 128 : i32
        %mul3A_92 = arith.muli %add3A_82, %mul3A_91 : i32
        %dma_wait3A = tpu.memref_slice %arg6[%mul3A_92] : memref<1280xi32, #tpu.memory_space<vmem>> -> memref<128xi32, #tpu.memory_space<vmem>>
        %dma_wait3A_93 = arith.constant 0 : i32
        %dma_wait3A_94 = arith.constant 0 : i32
        %dma_wait3A_95 = tpu.memref_slice %arg2[%dma_wait3A_93, %dma_wait3A_94] : memref<10000x144xf32, #tpu.memory_space<hbm>> -> memref<10000x144xf32, #tpu.memory_space<hbm>>
        tpu.wait_indirect_dma semaphore(%arg11 : memref<!tpu.dma_semaphore, #tpu.memory_space<semaphore_mem>>) src(%dma_wait3A_95 : memref<10000x144xf32, #tpu.memory_space<hbm>>) dst(%arg8 : memref<128x144xf32, #tpu.memory_space<vmem>>)
        %mul3A_96 = arith.constant 128 : i32
        %mul3A_97 = arith.muli %add3A_82, %mul3A_96 : i32
        "tpu.region"() ({
          %run_scoped3A = tpu.sem_alloc : memref<!tpu.dma_semaphore, #tpu.memory_space<semaphore_mem>>
          %dma_start3A_115 = tpu.memref_slice %arg7[%mul3A_97] : memref<1280xi32, #tpu.memory_space<vmem>> -> memref<128xi32, #tpu.memory_space<vmem>>
          %dma_start3A_116 = arith.constant 0 : i32
          %dma_start3A_117 = arith.constant 0 : i32
          %dma_start3A_118 = tpu.memref_slice %arg10[%dma_start3A_116, %dma_start3A_117] : memref<10008x144xf32, #tpu.memory_space<vmem_shared>> -> memref<10008x144xf32, #tpu.memory_space<vmem_shared>>
          tpu.enqueue_indirect_dma source(%arg8 : memref<128x144xf32, #tpu.memory_space<vmem>>) target(%dma_start3A_118 : memref<10008x144xf32, #tpu.memory_space<vmem_shared>>) offsets(%dma_start3A_115 : memref<128xi32, #tpu.memory_space<vmem>>) semaphore(%run_scoped3A : memref<!tpu.dma_semaphore, #tpu.memory_space<semaphore_mem>>) {add = true}
          %dma_wait3A_119 = tpu.memref_slice %arg7[%mul3A_97] : memref<1280xi32, #tpu.memory_space<vmem>> -> memref<128xi32, #tpu.memory_space<vmem>>
          %dma_wait3A_120 = arith.constant 0 : i32
          %dma_wait3A_121 = arith.constant 0 : i32
          %dma_wait3A_122 = tpu.memref_slice %arg10[%dma_wait3A_120, %dma_wait3A_121] : memref<10008x144xf32, #tpu.memory_space<vmem_shared>> -> memref<10008x144xf32, #tpu.memory_space<vmem_shared>>
          tpu.wait_indirect_dma semaphore(%run_scoped3A : memref<!tpu.dma_semaphore, #tpu.memory_space<semaphore_mem>>) src(%arg8 : memref<128x144xf32, #tpu.memory_space<vmem>>) dst(%dma_wait3A_122 : memref<10008x144xf32, #tpu.memory_space<vmem_shared>>)
          tpu.yield
        }) : () -> ()
        %mul3A_98 = arith.constant 2 : i32
        %mul3A_99 = arith.muli %scan3A_77, %mul3A_98 : i32
        %add3A_100 = arith.constant 1 : i32
        %add3A_101 = arith.addi %mul3A_99, %add3A_100 : i32
        %add3A_102 = arith.constant 1 : i32
        %add3A_103 = arith.addi %add3A_101, %add3A_102 : i32
        %lt3A = arith.constant 10 : i32
        %lt3A_104 = arith.cmpi slt, %add3A_103, %lt3A : i32
        %convert_element_type3A = arith.extui %lt3A_104 : i1 to i32
        %cond3A = arith.constant 0 : i32
        %cond3A_105 = arith.cmpi ne, %convert_element_type3A, %cond3A : i32
        scf.if %cond3A_105 {
          %add3A_115 = arith.constant 1 : i32
          %add3A_116 = arith.addi %add3A_101, %add3A_115 : i32
          %mul3A_117 = arith.constant 128 : i32
          %mul3A_118 = arith.muli %add3A_116, %mul3A_117 : i32
          %dma_start3A_119 = tpu.memref_slice %arg6[%mul3A_118] : memref<1280xi32, #tpu.memory_space<vmem>> -> memref<128xi32, #tpu.memory_space<vmem>>
          %dma_start3A_120 = arith.constant 0 : i32
          %dma_start3A_121 = arith.constant 0 : i32
          %dma_start3A_122 = tpu.memref_slice %arg2[%dma_start3A_120, %dma_start3A_121] : memref<10000x144xf32, #tpu.memory_space<hbm>> -> memref<10000x144xf32, #tpu.memory_space<hbm>>
          tpu.enqueue_indirect_dma source(%dma_start3A_122 : memref<10000x144xf32, #tpu.memory_space<hbm>>) target(%arg8 : memref<128x144xf32, #tpu.memory_space<vmem>>) offsets(%dma_start3A_119 : memref<128xi32, #tpu.memory_space<vmem>>) semaphore(%arg11 : memref<!tpu.dma_semaphore, #tpu.memory_space<semaphore_mem>>)
        } else {
        }
        %mul3A_106 = arith.constant 128 : i32
        %mul3A_107 = arith.muli %add3A_101, %mul3A_106 : i32
        %dma_wait3A_108 = tpu.memref_slice %arg6[%mul3A_107] : memref<1280xi32, #tpu.memory_space<vmem>> -> memref<128xi32, #tpu.memory_space<vmem>>
        %dma_wait3A_109 = arith.constant 0 : i32
        %dma_wait3A_110 = arith.constant 0 : i32
        %dma_wait3A_111 = tpu.memref_slice %arg2[%dma_wait3A_109, %dma_wait3A_110] : memref<10000x144xf32, #tpu.memory_space<hbm>> -> memref<10000x144xf32, #tpu.memory_space<hbm>>
        tpu.wait_indirect_dma semaphore(%arg12 : memref<!tpu.dma_semaphore, #tpu.memory_space<semaphore_mem>>) src(%dma_wait3A_111 : memref<10000x144xf32, #tpu.memory_space<hbm>>) dst(%arg9 : memref<128x144xf32, #tpu.memory_space<vmem>>)
        %mul3A_112 = arith.constant 128 : i32
        %mul3A_113 = arith.muli %add3A_101, %mul3A_112 : i32
        "tpu.region"() ({
          %run_scoped3A = tpu.sem_alloc : memref<!tpu.dma_semaphore, #tpu.memory_space<semaphore_mem>>
          %dma_start3A_115 = tpu.memref_slice %arg7[%mul3A_113] : memref<1280xi32, #tpu.memory_space<vmem>> -> memref<128xi32, #tpu.memory_space<vmem>>
          %dma_start3A_116 = arith.constant 0 : i32
          %dma_start3A_117 = arith.constant 0 : i32
          %dma_start3A_118 = tpu.memref_slice %arg10[%dma_start3A_116, %dma_start3A_117] : memref<10008x144xf32, #tpu.memory_space<vmem_shared>> -> memref<10008x144xf32, #tpu.memory_space<vmem_shared>>
          tpu.enqueue_indirect_dma source(%arg9 : memref<128x144xf32, #tpu.memory_space<vmem>>) target(%dma_start3A_118 : memref<10008x144xf32, #tpu.memory_space<vmem_shared>>) offsets(%dma_start3A_115 : memref<128xi32, #tpu.memory_space<vmem>>) semaphore(%run_scoped3A : memref<!tpu.dma_semaphore, #tpu.memory_space<semaphore_mem>>) {add = true}
          %dma_wait3A_119 = tpu.memref_slice %arg7[%mul3A_113] : memref<1280xi32, #tpu.memory_space<vmem>> -> memref<128xi32, #tpu.memory_space<vmem>>
          %dma_wait3A_120 = arith.constant 0 : i32
          %dma_wait3A_121 = arith.constant 0 : i32
          %dma_wait3A_122 = tpu.memref_slice %arg10[%dma_wait3A_120, %dma_wait3A_121] : memref<10008x144xf32, #tpu.memory_space<vmem_shared>> -> memref<10008x144xf32, #tpu.memory_space<vmem_shared>>
          tpu.wait_indirect_dma semaphore(%run_scoped3A : memref<!tpu.dma_semaphore, #tpu.memory_space<semaphore_mem>>) src(%arg9 : memref<128x144xf32, #tpu.memory_space<vmem>>) dst(%dma_wait3A_122 : memref<10008x144xf32, #tpu.memory_space<vmem_shared>>)
          tpu.yield
        }) : () -> ()
        %scan3A_114 = arith.constant 0 : i32
        scf.yield %scan3A_114 : i32
      }
      %scan3A_75 = arith.constant 5 : i32
      %while3A_76 = arith.constant 0 : i32
      scf.yield %while3A_76 : i32
    }
    %barrier3A_55 = arith.constant 0 : index
    tpu.barrier barrier_id(%barrier3A_55)
    "tpu.trace_stop"() : () -> ()
    "tpu.trace_start"() <{level = 10 : i32, message = "flush"}> : () -> ()
    %mul3A_56 = arith.constant 625 : i32
    %mul3A_57 = arith.muli %arg1, %mul3A_56 : i32
    %mul3A_58 = arith.constant 625 : i32
    %mul3A_59 = arith.muli %arg1, %mul3A_58 : i32
    "tpu.region"() ({
      %run_scoped3A = tpu.sem_alloc : memref<!tpu.dma_semaphore, #tpu.memory_space<semaphore_mem>>
      %dma_start3A = arith.constant 0 : i32
      %dma_start3A_60 = tpu.memref_slice %arg5[%arg0, %mul3A_59, %dma_start3A] : memref<2x10000x144xf32, #tpu.memory_space<hbm>> -> memref<1x625x144xf32, #tpu.memory_space<hbm>>
      %dma_start3A_61 = tpu.memref_squeeze %dma_start3A_60 : memref<1x625x144xf32, #tpu.memory_space<hbm>> -> memref<625x144xf32, #tpu.memory_space<hbm>>
      %dma_start3A_62 = arith.constant 0 : i32
      %dma_start3A_63 = tpu.memref_slice %arg10[%mul3A_57, %dma_start3A_62] : memref<10008x144xf32, #tpu.memory_space<vmem_shared>> -> memref<625x144xf32, #tpu.memory_space<vmem_shared>>
      tpu.enqueue_dma source(%dma_start3A_63 : memref<625x144xf32, #tpu.memory_space<vmem_shared>>) target(%dma_start3A_61 : memref<625x144xf32, #tpu.memory_space<hbm>>) target_semaphore(%run_scoped3A : memref<!tpu.dma_semaphore, #tpu.memory_space<semaphore_mem>>)
      %dma_wait3A = arith.constant 0 : i32
      %dma_wait3A_64 = tpu.memref_slice %arg5[%arg0, %mul3A_59, %dma_wait3A] : memref<2x10000x144xf32, #tpu.memory_space<hbm>> -> memref<1x625x144xf32, #tpu.memory_space<hbm>>
      %dma_wait3A_65 = tpu.memref_squeeze %dma_wait3A_64 : memref<1x625x144xf32, #tpu.memory_space<hbm>> -> memref<625x144xf32, #tpu.memory_space<hbm>>
      %dma_wait3A_66 = arith.constant 0 : i32
      %dma_wait3A_67 = tpu.memref_slice %arg10[%mul3A_57, %dma_wait3A_66] : memref<10008x144xf32, #tpu.memory_space<vmem_shared>> -> memref<625x144xf32, #tpu.memory_space<vmem_shared>>
      tpu.wait_dma2 semaphore(%run_scoped3A : memref<!tpu.dma_semaphore, #tpu.memory_space<semaphore_mem>>) src(%dma_wait3A_67 : memref<625x144xf32, #tpu.memory_space<vmem_shared>>) dst(%dma_wait3A_65 : memref<625x144xf32, #tpu.memory_space<hbm>>)
      tpu.yield
    }) : () -> ()
    "tpu.trace_stop"() : () -> ()
    return
  }
}

#map = affine_map<(d0, d1) -> (0, 0)>
#map1 = affine_map<(d0, d1) -> (0)>
#map2 = affine_map<(d0, d1) -> (0, 0, 0)>
module attributes {stable_mosaic.version = 14 : i64} {
  func.func @_sc_body(%arg0: i32, %arg1: i32, %arg2: memref<10000x144xf32, #tpu.memory_space<hbm>>, %arg3: memref<327680xi32, #tpu.memory_space<hbm>>, %arg4: memref<327680xi32, #tpu.memory_space<hbm>>, %arg5: memref<2x10000x144xf32, #tpu.memory_space<hbm>>, %arg6: memref<1280xi32, #tpu.memory_space<vmem>>, %arg7: memref<1280xi32, #tpu.memory_space<vmem>>, %arg8: memref<128x144xf32, #tpu.memory_space<vmem>>, %arg9: memref<128x144xf32, #tpu.memory_space<vmem>>, %arg10: memref<10008x144xf32, #tpu.memory_space<vmem_shared>>, %arg11: memref<!tpu.dma_semaphore, #tpu.memory_space<semaphore_mem>>, %arg12: memref<!tpu.dma_semaphore, #tpu.memory_space<semaphore_mem>>) attributes {dimension_semantics = [#tpu.dimension_semantics<core_parallel>, #tpu.dimension_semantics<subcore_parallel>], iteration_bounds = array<i64: 2, 16>, scalar_prefetch = 0 : i64, scratch_operands = 7 : i64, tpu.core_type = #tpu.core_type<sc_vector_subcore>, window_params = [{transform_indices = #map}, {transform_indices = #map1}, {transform_indices = #map1}, {transform_indices = #map2}]} {
    %eq3A = arith.constant 0 : i32
    %eq3A_0 = arith.cmpi eq, %arg0, %eq3A : i32
    %mul3A = arith.constant 19200 : i32
    %mul3A_1 = arith.muli %arg1, %mul3A : i32
    %mul3A_2 = arith.constant 1280 : i32
    %mul3A_3 = arith.muli %arg1, %mul3A_2 : i32
    %add3A = arith.constant 307200 : i32
    %add3A_4 = arith.addi %add3A, %mul3A_3 : i32
    %select_n3A = arith.select %eq3A_0, %mul3A_1, %add3A_4 : i32
    %eq3A_5 = arith.constant 0 : i32
    %eq3A_6 = arith.cmpi eq, %arg0, %eq3A_5 : i32
    %jit3A = arith.constant 150 : i32
    %jit3A_7 = arith.constant 10 : i32
    %select_n3A_8 = arith.select %eq3A_6, %jit3A, %jit3A_7 : i32
    "tpu.trace_start"() <{level = 10 : i32, message = "zero_phase"}> : () -> ()
    %scan3A = arith.constant 0 : i32
    %scan3A_9 = arith.constant 0 : i32
    %scan3A_10 = arith.constant 1152 : i32
    %scan3A_11 = arith.addi %scan3A_9, %scan3A_10 : i32
    %scan3A_12 = arith.constant 1 : i32
    %scan3A_13 = scf.for %scan3A_60 = %scan3A_9 to %scan3A_11 step %scan3A_12 iter_args(%scan3A_61 = %scan3A) -> (i32)  : i32 {
      %jit3A_62 = arith.constant 9 : i32
      %div3A_63 = arith.divsi %scan3A_60, %jit3A_62 : i32
      %sign3A_64 = arith.constant 0 : i32
      %sign3A_65 = arith.cmpi sgt, %scan3A_60, %sign3A_64 : i32
      %sign3A_66 = arith.extui %sign3A_65 : i1 to i32
      %sign3A_67 = arith.constant 0 : i32
      %sign3A_68 = arith.cmpi slt, %scan3A_60, %sign3A_67 : i32
      %sign3A_69 = arith.extui %sign3A_68 : i1 to i32
      %sign3A_70 = arith.subi %sign3A_66, %sign3A_69 : i32
      %sign3A_71 = arith.constant 0 : i32
      %sign3A_72 = arith.cmpi sgt, %jit3A_62, %sign3A_71 : i32
      %sign3A_73 = arith.extui %sign3A_72 : i1 to i32
      %sign3A_74 = arith.constant 0 : i32
      %sign3A_75 = arith.cmpi slt, %jit3A_62, %sign3A_74 : i32
      %sign3A_76 = arith.extui %sign3A_75 : i1 to i32
      %sign3A_77 = arith.subi %sign3A_73, %sign3A_76 : i32
      %ne3A_78 = arith.cmpi ne, %sign3A_70, %sign3A_77 : i32
      %rem3A_79 = arith.remsi %scan3A_60, %jit3A_62 : i32
      %ne3A_80 = arith.constant 0 : i32
      %ne3A_81 = arith.cmpi ne, %rem3A_79, %ne3A_80 : i32
      %and3A_82 = arith.andi %ne3A_78, %ne3A_81 : i1
      %sub3A_83 = arith.constant 1 : i32
      %sub3A_84 = arith.subi %div3A_63, %sub3A_83 : i32
      %select_n3A_85 = arith.select %and3A_82, %sub3A_84, %div3A_63 : i32
      %jit3A_86 = arith.constant 9 : i32
      %eq3A_87 = arith.constant 0 : i32
      %eq3A_88 = arith.cmpi eq, %jit3A_86, %eq3A_87 : i32
      %jit3A_89 = arith.constant 1 : i32
      %select_n3A_90 = arith.select %eq3A_88, %jit3A_89, %jit3A_86 : i32
      %rem3A_91 = arith.remsi %scan3A_60, %select_n3A_90 : i32
      %ne3A_92 = arith.constant 0 : i32
      %ne3A_93 = arith.cmpi ne, %rem3A_91, %ne3A_92 : i32
      %lt3A = arith.constant 0 : i32
      %lt3A_94 = arith.cmpi slt, %rem3A_91, %lt3A : i32
      %lt3A_95 = arith.constant 0 : i32
      %lt3A_96 = arith.cmpi slt, %select_n3A_90, %lt3A_95 : i32
      %ne3A_97 = arith.xori %lt3A_94, %lt3A_96 : i1
      %and3A_98 = arith.andi %ne3A_97, %ne3A_93 : i1
      %add3A_99 = arith.addi %rem3A_91, %select_n3A_90 : i32
      %select_n3A_100 = arith.select %and3A_98, %add3A_99, %rem3A_91 : i32
      %broadcast_in_dim3A = arith.constant 0.000000e+00 : f32
      %broadcast_in_dim3A_101 = vector.broadcast %broadcast_in_dim3A : f32 to vector<16xf32>
      %mul3A_102 = arith.constant 16 : i32
      %mul3A_103 = arith.muli %select_n3A_100, %mul3A_102 : i32
      %swap3A = arith.index_cast %select_n3A_85 : i32 to index
      %swap3A_104 = arith.index_cast %mul3A_103 : i32 to index
      %swap3A_105 = tpu.vector_load %arg8[%swap3A, %swap3A_104] {strides = array<i32>} : memref<128x144xf32, #tpu.memory_space<vmem>>, vector<1x16xf32>,
      %swap3A_106 = vector.shape_cast %swap3A_105 : vector<1x16xf32> to vector<16xf32>
      %swap3A_107 = vector.shape_cast %broadcast_in_dim3A_101 : vector<16xf32> to vector<1x16xf32>
      tpu.vector_store %arg8[%swap3A, %swap3A_104], %swap3A_107 {strides = array<i32>} : memref<128x144xf32, #tpu.memory_space<vmem>>, vector<1x16xf32>,
      %scan3A_108 = arith.constant 0 : i32
      scf.yield %scan3A_108 : i32
    }
    %scan3A_14 = arith.constant 1152 : i32
    %mul3A_15 = arith.constant 625 : i32
    %mul3A_16 = arith.muli %arg1, %mul3A_15 : i32
    %scan3A_17 = arith.constant 0 : i32
    %scan3A_18 = arith.constant 0 : i32
    %scan3A_19 = arith.constant 4 : i32
    %scan3A_20 = arith.addi %scan3A_18, %scan3A_19 : i32
    %scan3A_21 = arith.constant 1 : i32
    %scan3A_22 = scf.for %scan3A_60 = %scan3A_18 to %scan3A_20 step %scan3A_21 iter_args(%scan3A_61 = %scan3A_17) -> (i32)  : i32 {
      %mul3A_62 = arith.constant 128 : i32
      %mul3A_63 = arith.muli %scan3A_60, %mul3A_62 : i32
      %add3A_64 = arith.addi %mul3A_16, %mul3A_63 : i32
      "tpu.region"() ({
        %run_scoped3A = tpu.sem_alloc : memref<!tpu.dma_semaphore, #tpu.memory_space<semaphore_mem>>
        %dma_start3A = arith.constant 0 : i32
        %dma_start3A_66 = tpu.memref_slice %arg10[%add3A_64, %dma_start3A] : memref<10008x144xf32, #tpu.memory_space<vmem_shared>> -> memref<128x144xf32, #tpu.memory_space<vmem_shared>>
        %dma_start3A_67 = arith.constant 0 : i32
        %dma_start3A_68 = tpu.memref_slice %arg10[%add3A_64, %dma_start3A_67] : memref<10008x144xf32, #tpu.memory_space<vmem_shared>> -> memref<128x144xf32, #tpu.memory_space<vmem_shared>>
        tpu.enqueue_dma source(%arg8 : memref<128x144xf32, #tpu.memory_space<vmem>>) target(%dma_start3A_68 : memref<128x144xf32, #tpu.memory_space<vmem_shared>>) target_semaphore(%run_scoped3A : memref<!tpu.dma_semaphore, #tpu.memory_space<semaphore_mem>>)
        %dma_wait3A = arith.constant 0 : i32
        %dma_wait3A_69 = tpu.memref_slice %arg10[%add3A_64, %dma_wait3A] : memref<10008x144xf32, #tpu.memory_space<vmem_shared>> -> memref<128x144xf32, #tpu.memory_space<vmem_shared>>
        %dma_wait3A_70 = arith.constant 0 : i32
        %dma_wait3A_71 = tpu.memref_slice %arg10[%add3A_64, %dma_wait3A_70] : memref<10008x144xf32, #tpu.memory_space<vmem_shared>> -> memref<128x144xf32, #tpu.memory_space<vmem_shared>>
        tpu.wait_dma2 semaphore(%run_scoped3A : memref<!tpu.dma_semaphore, #tpu.memory_space<semaphore_mem>>) src(%arg8 : memref<128x144xf32, #tpu.memory_space<vmem>>) dst(%dma_wait3A_71 : memref<128x144xf32, #tpu.memory_space<vmem_shared>>)
        tpu.yield
      }) : () -> ()
      %scan3A_65 = arith.constant 0 : i32
      scf.yield %scan3A_65 : i32
    }
    %scan3A_23 = arith.constant 4 : i32
    %add3A_24 = arith.constant 512 : i32
    %add3A_25 = arith.addi %mul3A_16, %add3A_24 : i32
    "tpu.region"() ({
      %run_scoped3A = tpu.sem_alloc : memref<!tpu.dma_semaphore, #tpu.memory_space<semaphore_mem>>
      %dma_start3A = arith.constant 0 : i32
      %dma_start3A_60 = arith.constant 0 : i32
      %dma_start3A_61 = tpu.memref_slice %arg8[%dma_start3A, %dma_start3A_60] : memref<128x144xf32, #tpu.memory_space<vmem>> -> memref<113x144xf32, #tpu.memory_space<vmem>>
      %dma_start3A_62 = arith.constant 0 : i32
      %dma_start3A_63 = tpu.memref_slice %arg10[%add3A_25, %dma_start3A_62] : memref<10008x144xf32, #tpu.memory_space<vmem_shared>> -> memref<113x144xf32, #tpu.memory_space<vmem_shared>>
      %dma_start3A_64 = arith.constant 0 : i32
      %dma_start3A_65 = tpu.memref_slice %arg10[%add3A_25, %dma_start3A_64] : memref<10008x144xf32, #tpu.memory_space<vmem_shared>> -> memref<113x144xf32, #tpu.memory_space<vmem_shared>>
      %dma_start3A_66 = arith.constant 0 : i32
      %dma_start3A_67 = arith.constant 0 : i32
      %dma_start3A_68 = tpu.memref_slice %arg8[%dma_start3A_66, %dma_start3A_67] : memref<128x144xf32, #tpu.memory_space<vmem>> -> memref<113x144xf32, #tpu.memory_space<vmem>>
      tpu.enqueue_dma source(%dma_start3A_68 : memref<113x144xf32, #tpu.memory_space<vmem>>) target(%dma_start3A_65 : memref<113x144xf32, #tpu.memory_space<vmem_shared>>) target_semaphore(%run_scoped3A : memref<!tpu.dma_semaphore, #tpu.memory_space<semaphore_mem>>)
      %dma_wait3A = arith.constant 0 : i32
      %dma_wait3A_69 = arith.constant 0 : i32
      %dma_wait3A_70 = tpu.memref_slice %arg8[%dma_wait3A, %dma_wait3A_69] : memref<128x144xf32, #tpu.memory_space<vmem>> -> memref<113x144xf32, #tpu.memory_space<vmem>>
      %dma_wait3A_71 = arith.constant 0 : i32
      %dma_wait3A_72 = tpu.memref_slice %arg10[%add3A_25, %dma_wait3A_71] : memref<10008x144xf32, #tpu.memory_space<vmem_shared>> -> memref<113x144xf32, #tpu.memory_space<vmem_shared>>
      %dma_wait3A_73 = arith.constant 0 : i32
      %dma_wait3A_74 = tpu.memref_slice %arg10[%add3A_25, %dma_wait3A_73] : memref<10008x144xf32, #tpu.memory_space<vmem_shared>> -> memref<113x144xf32, #tpu.memory_space<vmem_shared>>
      %dma_wait3A_75 = arith.constant 0 : i32
      %dma_wait3A_76 = arith.constant 0 : i32
      %dma_wait3A_77 = tpu.memref_slice %arg8[%dma_wait3A_75, %dma_wait3A_76] : memref<128x144xf32, #tpu.memory_space<vmem>> -> memref<113x144xf32, #tpu.memory_space<vmem>>
      tpu.wait_dma2 semaphore(%run_scoped3A : memref<!tpu.dma_semaphore, #tpu.memory_space<semaphore_mem>>) src(%dma_wait3A_77 : memref<113x144xf32, #tpu.memory_space<vmem>>) dst(%dma_wait3A_74 : memref<113x144xf32, #tpu.memory_space<vmem_shared>>)
      tpu.yield
    }) : () -> ()
    %barrier3A = arith.constant 0 : index
    tpu.barrier barrier_id(%barrier3A)
    %jit3A_26 = arith.constant 10 : i32
    "tpu.trace_stop"() : () -> ()
    "tpu.trace_start"() <{level = 10 : i32, message = "accumulate"}> : () -> ()
    %div3A = arith.divsi %select_n3A_8, %jit3A_26 : i32
    %sign3A = arith.constant 0 : i32
    %sign3A_27 = arith.cmpi sgt, %select_n3A_8, %sign3A : i32
    %sign3A_28 = arith.extui %sign3A_27 : i1 to i32
    %sign3A_29 = arith.constant 0 : i32
    %sign3A_30 = arith.cmpi slt, %select_n3A_8, %sign3A_29 : i32
    %sign3A_31 = arith.extui %sign3A_30 : i1 to i32
    %sign3A_32 = arith.subi %sign3A_28, %sign3A_31 : i32
    %sign3A_33 = arith.constant 0 : i32
    %sign3A_34 = arith.cmpi sgt, %jit3A_26, %sign3A_33 : i32
    %sign3A_35 = arith.extui %sign3A_34 : i1 to i32
    %sign3A_36 = arith.constant 0 : i32
    %sign3A_37 = arith.cmpi slt, %jit3A_26, %sign3A_36 : i32
    %sign3A_38 = arith.extui %sign3A_37 : i1 to i32
    %sign3A_39 = arith.subi %sign3A_35, %sign3A_38 : i32
    %ne3A = arith.cmpi ne, %sign3A_32, %sign3A_39 : i32
    %rem3A = arith.remsi %select_n3A_8, %jit3A_26 : i32
    %ne3A_40 = arith.constant 0 : i32
    %ne3A_41 = arith.cmpi ne, %rem3A, %ne3A_40 : i32
    %and3A = arith.andi %ne3A, %ne3A_41 : i1
    %sub3A = arith.constant 1 : i32
    %sub3A_42 = arith.subi %div3A, %sub3A : i32
    %select_n3A_43 = arith.select %and3A, %sub3A_42, %div3A : i32
    %while3A = arith.constant 0 : i32
    %while3A_44 = arith.constant 0 : i32
    %while3A_45 = arith.subi %select_n3A_43, %while3A : i32
    %while3A_46 = arith.addi %while3A, %while3A_45 : i32
    %while3A_47 = arith.constant 1 : i32
    %while3A_48 = arith.divsi %while3A_45, %while3A_47 : i32
    %while3A_49 = arith.muli %while3A_48, %while3A_47 : i32
    %while3A_50 = arith.addi %while3A, %while3A_49 : i32
    %while3A_51 = arith.constant 1 : i32
    %while3A_52 = scf.for %while3A_60 = %while3A to %while3A_50 step %while3A_51 iter_args(%while3A_61 = %while3A_44) -> (i32)  : i32 {
      %mul3A_62 = arith.constant 1280 : i32
      %mul3A_63 = arith.muli %while3A_60, %mul3A_62 : i32
      %add3A_64 = arith.addi %select_n3A, %mul3A_63 : i32
      "tpu.region"() ({
        %run_scoped3A = tpu.sem_alloc : memref<!tpu.dma_semaphore, #tpu.memory_space<semaphore_mem>>
        %dma_start3A_77 = tpu.memref_slice %arg3[%add3A_64] : memref<327680xi32, #tpu.memory_space<hbm>> -> memref<1280xi32, #tpu.memory_space<hbm>>
        %dma_start3A_78 = tpu.memref_slice %arg3[%add3A_64] : memref<327680xi32, #tpu.memory_space<hbm>> -> memref<1280xi32, #tpu.memory_space<hbm>>
        tpu.enqueue_dma source(%dma_start3A_78 : memref<1280xi32, #tpu.memory_space<hbm>>) target(%arg6 : memref<1280xi32, #tpu.memory_space<vmem>>) target_semaphore(%run_scoped3A : memref<!tpu.dma_semaphore, #tpu.memory_space<semaphore_mem>>)
        %dma_wait3A = tpu.memref_slice %arg3[%add3A_64] : memref<327680xi32, #tpu.memory_space<hbm>> -> memref<1280xi32, #tpu.memory_space<hbm>>
        %dma_wait3A_79 = tpu.memref_slice %arg3[%add3A_64] : memref<327680xi32, #tpu.memory_space<hbm>> -> memref<1280xi32, #tpu.memory_space<hbm>>
        tpu.wait_dma2 semaphore(%run_scoped3A : memref<!tpu.dma_semaphore, #tpu.memory_space<semaphore_mem>>) src(%dma_wait3A_79 : memref<1280xi32, #tpu.memory_space<hbm>>) dst(%arg6 : memref<1280xi32, #tpu.memory_space<vmem>>)
        tpu.yield
      }) : () -> ()
      "tpu.region"() ({
        %run_scoped3A = tpu.sem_alloc : memref<!tpu.dma_semaphore, #tpu.memory_space<semaphore_mem>>
        %dma_start3A_77 = tpu.memref_slice %arg4[%add3A_64] : memref<327680xi32, #tpu.memory_space<hbm>> -> memref<1280xi32, #tpu.memory_space<hbm>>
        %dma_start3A_78 = tpu.memref_slice %arg4[%add3A_64] : memref<327680xi32, #tpu.memory_space<hbm>> -> memref<1280xi32, #tpu.memory_space<hbm>>
        tpu.enqueue_dma source(%dma_start3A_78 : memref<1280xi32, #tpu.memory_space<hbm>>) target(%arg7 : memref<1280xi32, #tpu.memory_space<vmem>>) target_semaphore(%run_scoped3A : memref<!tpu.dma_semaphore, #tpu.memory_space<semaphore_mem>>)
        %dma_wait3A = tpu.memref_slice %arg4[%add3A_64] : memref<327680xi32, #tpu.memory_space<hbm>> -> memref<1280xi32, #tpu.memory_space<hbm>>
        %dma_wait3A_79 = tpu.memref_slice %arg4[%add3A_64] : memref<327680xi32, #tpu.memory_space<hbm>> -> memref<1280xi32, #tpu.memory_space<hbm>>
        tpu.wait_dma2 semaphore(%run_scoped3A : memref<!tpu.dma_semaphore, #tpu.memory_space<semaphore_mem>>) src(%dma_wait3A_79 : memref<1280xi32, #tpu.memory_space<hbm>>) dst(%arg7 : memref<1280xi32, #tpu.memory_space<vmem>>)
        tpu.yield
      }) : () -> ()
      %dma_start3A = arith.constant 0 : i32
      %dma_start3A_65 = tpu.memref_slice %arg6[%dma_start3A] : memref<1280xi32, #tpu.memory_space<vmem>> -> memref<128xi32, #tpu.memory_space<vmem>>
      %dma_start3A_66 = arith.constant 0 : i32
      %dma_start3A_67 = arith.constant 0 : i32
      %dma_start3A_68 = tpu.memref_slice %arg2[%dma_start3A_66, %dma_start3A_67] : memref<10000x144xf32, #tpu.memory_space<hbm>> -> memref<10000x144xf32, #tpu.memory_space<hbm>>
      tpu.enqueue_indirect_dma source(%dma_start3A_68 : memref<10000x144xf32, #tpu.memory_space<hbm>>) target(%arg8 : memref<128x144xf32, #tpu.memory_space<vmem>>) offsets(%dma_start3A_65 : memref<128xi32, #tpu.memory_space<vmem>>) semaphore(%arg11 : memref<!tpu.dma_semaphore, #tpu.memory_space<semaphore_mem>>)
      %scan3A_69 = arith.constant 0 : i32
      %scan3A_70 = arith.constant 0 : i32
      %scan3A_71 = arith.constant 5 : i32
      %scan3A_72 = arith.addi %scan3A_70, %scan3A_71 : i32
      %scan3A_73 = arith.constant 1 : i32
      %scan3A_74 = scf.for %scan3A_77 = %scan3A_70 to %scan3A_72 step %scan3A_73 iter_args(%scan3A_78 = %scan3A_69) -> (i32)  : i32 {
        %mul3A_79 = arith.constant 2 : i32
        %mul3A_80 = arith.muli %scan3A_77, %mul3A_79 : i32
        %add3A_81 = arith.constant 0 : i32
        %add3A_82 = arith.addi %mul3A_80, %add3A_81 : i32
        %add3A_83 = arith.constant 1 : i32
        %add3A_84 = arith.addi %add3A_82, %add3A_83 : i32
        %mul3A_85 = arith.constant 128 : i32
        %mul3A_86 = arith.muli %add3A_84, %mul3A_85 : i32
        %dma_start3A_87 = tpu.memref_slice %arg6[%mul3A_86] : memref<1280xi32, #tpu.memory_space<vmem>> -> memref<128xi32, #tpu.memory_space<vmem>>
        %dma_start3A_88 = arith.constant 0 : i32
        %dma_start3A_89 = arith.constant 0 : i32
        %dma_start3A_90 = tpu.memref_slice %arg2[%dma_start3A_88, %dma_start3A_89] : memref<10000x144xf32, #tpu.memory_space<hbm>> -> memref<10000x144xf32, #tpu.memory_space<hbm>>
        tpu.enqueue_indirect_dma source(%dma_start3A_90 : memref<10000x144xf32, #tpu.memory_space<hbm>>) target(%arg9 : memref<128x144xf32, #tpu.memory_space<vmem>>) offsets(%dma_start3A_87 : memref<128xi32, #tpu.memory_space<vmem>>) semaphore(%arg12 : memref<!tpu.dma_semaphore, #tpu.memory_space<semaphore_mem>>)
        %mul3A_91 = arith.constant 128 : i32
        %mul3A_92 = arith.muli %add3A_82, %mul3A_91 : i32
        %dma_wait3A = tpu.memref_slice %arg6[%mul3A_92] : memref<1280xi32, #tpu.memory_space<vmem>> -> memref<128xi32, #tpu.memory_space<vmem>>
        %dma_wait3A_93 = arith.constant 0 : i32
        %dma_wait3A_94 = arith.constant 0 : i32
        %dma_wait3A_95 = tpu.memref_slice %arg2[%dma_wait3A_93, %dma_wait3A_94] : memref<10000x144xf32, #tpu.memory_space<hbm>> -> memref<10000x144xf32, #tpu.memory_space<hbm>>
        tpu.wait_indirect_dma semaphore(%arg11 : memref<!tpu.dma_semaphore, #tpu.memory_space<semaphore_mem>>) src(%dma_wait3A_95 : memref<10000x144xf32, #tpu.memory_space<hbm>>) dst(%arg8 : memref<128x144xf32, #tpu.memory_space<vmem>>)
        %mul3A_96 = arith.constant 128 : i32
        %mul3A_97 = arith.muli %add3A_82, %mul3A_96 : i32
        "tpu.region"() ({
          %run_scoped3A = tpu.sem_alloc : memref<!tpu.dma_semaphore, #tpu.memory_space<semaphore_mem>>
          %dma_start3A_115 = tpu.memref_slice %arg7[%mul3A_97] : memref<1280xi32, #tpu.memory_space<vmem>> -> memref<128xi32, #tpu.memory_space<vmem>>
          %dma_start3A_116 = arith.constant 0 : i32
          %dma_start3A_117 = arith.constant 0 : i32
          %dma_start3A_118 = tpu.memref_slice %arg10[%dma_start3A_116, %dma_start3A_117] : memref<10008x144xf32, #tpu.memory_space<vmem_shared>> -> memref<10008x144xf32, #tpu.memory_space<vmem_shared>>
          tpu.enqueue_indirect_dma source(%arg8 : memref<128x144xf32, #tpu.memory_space<vmem>>) target(%dma_start3A_118 : memref<10008x144xf32, #tpu.memory_space<vmem_shared>>) offsets(%dma_start3A_115 : memref<128xi32, #tpu.memory_space<vmem>>) semaphore(%run_scoped3A : memref<!tpu.dma_semaphore, #tpu.memory_space<semaphore_mem>>) {add = true}
          %dma_wait3A_119 = tpu.memref_slice %arg7[%mul3A_97] : memref<1280xi32, #tpu.memory_space<vmem>> -> memref<128xi32, #tpu.memory_space<vmem>>
          %dma_wait3A_120 = arith.constant 0 : i32
          %dma_wait3A_121 = arith.constant 0 : i32
          %dma_wait3A_122 = tpu.memref_slice %arg10[%dma_wait3A_120, %dma_wait3A_121] : memref<10008x144xf32, #tpu.memory_space<vmem_shared>> -> memref<10008x144xf32, #tpu.memory_space<vmem_shared>>
          tpu.wait_indirect_dma semaphore(%run_scoped3A : memref<!tpu.dma_semaphore, #tpu.memory_space<semaphore_mem>>) src(%arg8 : memref<128x144xf32, #tpu.memory_space<vmem>>) dst(%dma_wait3A_122 : memref<10008x144xf32, #tpu.memory_space<vmem_shared>>)
          tpu.yield
        }) : () -> ()
        %mul3A_98 = arith.constant 2 : i32
        %mul3A_99 = arith.muli %scan3A_77, %mul3A_98 : i32
        %add3A_100 = arith.constant 1 : i32
        %add3A_101 = arith.addi %mul3A_99, %add3A_100 : i32
        %add3A_102 = arith.constant 1 : i32
        %add3A_103 = arith.addi %add3A_101, %add3A_102 : i32
        %lt3A = arith.constant 10 : i32
        %lt3A_104 = arith.cmpi slt, %add3A_103, %lt3A : i32
        %convert_element_type3A = arith.extui %lt3A_104 : i1 to i32
        %cond3A = arith.constant 0 : i32
        %cond3A_105 = arith.cmpi ne, %convert_element_type3A, %cond3A : i32
        scf.if %cond3A_105 {
          %add3A_115 = arith.constant 1 : i32
          %add3A_116 = arith.addi %add3A_101, %add3A_115 : i32
          %mul3A_117 = arith.constant 128 : i32
          %mul3A_118 = arith.muli %add3A_116, %mul3A_117 : i32
          %dma_start3A_119 = tpu.memref_slice %arg6[%mul3A_118] : memref<1280xi32, #tpu.memory_space<vmem>> -> memref<128xi32, #tpu.memory_space<vmem>>
          %dma_start3A_120 = arith.constant 0 : i32
          %dma_start3A_121 = arith.constant 0 : i32
          %dma_start3A_122 = tpu.memref_slice %arg2[%dma_start3A_120, %dma_start3A_121] : memref<10000x144xf32, #tpu.memory_space<hbm>> -> memref<10000x144xf32, #tpu.memory_space<hbm>>
          tpu.enqueue_indirect_dma source(%dma_start3A_122 : memref<10000x144xf32, #tpu.memory_space<hbm>>) target(%arg8 : memref<128x144xf32, #tpu.memory_space<vmem>>) offsets(%dma_start3A_119 : memref<128xi32, #tpu.memory_space<vmem>>) semaphore(%arg11 : memref<!tpu.dma_semaphore, #tpu.memory_space<semaphore_mem>>)
        } else {
        }
        %mul3A_106 = arith.constant 128 : i32
        %mul3A_107 = arith.muli %add3A_101, %mul3A_106 : i32
        %dma_wait3A_108 = tpu.memref_slice %arg6[%mul3A_107] : memref<1280xi32, #tpu.memory_space<vmem>> -> memref<128xi32, #tpu.memory_space<vmem>>
        %dma_wait3A_109 = arith.constant 0 : i32
        %dma_wait3A_110 = arith.constant 0 : i32
        %dma_wait3A_111 = tpu.memref_slice %arg2[%dma_wait3A_109, %dma_wait3A_110] : memref<10000x144xf32, #tpu.memory_space<hbm>> -> memref<10000x144xf32, #tpu.memory_space<hbm>>
        tpu.wait_indirect_dma semaphore(%arg12 : memref<!tpu.dma_semaphore, #tpu.memory_space<semaphore_mem>>) src(%dma_wait3A_111 : memref<10000x144xf32, #tpu.memory_space<hbm>>) dst(%arg9 : memref<128x144xf32, #tpu.memory_space<vmem>>)
        %mul3A_112 = arith.constant 128 : i32
        %mul3A_113 = arith.muli %add3A_101, %mul3A_112 : i32
        "tpu.region"() ({
          %run_scoped3A = tpu.sem_alloc : memref<!tpu.dma_semaphore, #tpu.memory_space<semaphore_mem>>
          %dma_start3A_115 = tpu.memref_slice %arg7[%mul3A_113] : memref<1280xi32, #tpu.memory_space<vmem>> -> memref<128xi32, #tpu.memory_space<vmem>>
          %dma_start3A_116 = arith.constant 0 : i32
          %dma_start3A_117 = arith.constant 0 : i32
          %dma_start3A_118 = tpu.memref_slice %arg10[%dma_start3A_116, %dma_start3A_117] : memref<10008x144xf32, #tpu.memory_space<vmem_shared>> -> memref<10008x144xf32, #tpu.memory_space<vmem_shared>>
          tpu.enqueue_indirect_dma source(%arg9 : memref<128x144xf32, #tpu.memory_space<vmem>>) target(%dma_start3A_118 : memref<10008x144xf32, #tpu.memory_space<vmem_shared>>) offsets(%dma_start3A_115 : memref<128xi32, #tpu.memory_space<vmem>>) semaphore(%run_scoped3A : memref<!tpu.dma_semaphore, #tpu.memory_space<semaphore_mem>>) {add = true}
          %dma_wait3A_119 = tpu.memref_slice %arg7[%mul3A_113] : memref<1280xi32, #tpu.memory_space<vmem>> -> memref<128xi32, #tpu.memory_space<vmem>>
          %dma_wait3A_120 = arith.constant 0 : i32
          %dma_wait3A_121 = arith.constant 0 : i32
          %dma_wait3A_122 = tpu.memref_slice %arg10[%dma_wait3A_120, %dma_wait3A_121] : memref<10008x144xf32, #tpu.memory_space<vmem_shared>> -> memref<10008x144xf32, #tpu.memory_space<vmem_shared>>
          tpu.wait_indirect_dma semaphore(%run_scoped3A : memref<!tpu.dma_semaphore, #tpu.memory_space<semaphore_mem>>) src(%arg9 : memref<128x144xf32, #tpu.memory_space<vmem>>) dst(%dma_wait3A_122 : memref<10008x144xf32, #tpu.memory_space<vmem_shared>>)
          tpu.yield
        }) : () -> ()
        %scan3A_114 = arith.constant 0 : i32
        scf.yield %scan3A_114 : i32
      }
      %scan3A_75 = arith.constant 5 : i32
      %while3A_76 = arith.constant 0 : i32
      scf.yield %while3A_76 : i32
    }
    %while3A_53 = arith.constant 1 : i32
    %while3A_54 = scf.for %while3A_60 = %while3A_50 to %while3A_46 step %while3A_53 iter_args(%while3A_61 = %while3A_52) -> (i32)  : i32 {
      %mul3A_62 = arith.constant 1280 : i32
      %mul3A_63 = arith.muli %while3A_60, %mul3A_62 : i32
      %add3A_64 = arith.addi %select_n3A, %mul3A_63 : i32
      "tpu.region"() ({
        %run_scoped3A = tpu.sem_alloc : memref<!tpu.dma_semaphore, #tpu.memory_space<semaphore_mem>>
        %dma_start3A_77 = tpu.memref_slice %arg3[%add3A_64] : memref<327680xi32, #tpu.memory_space<hbm>> -> memref<1280xi32, #tpu.memory_space<hbm>>
        %dma_start3A_78 = tpu.memref_slice %arg3[%add3A_64] : memref<327680xi32, #tpu.memory_space<hbm>> -> memref<1280xi32, #tpu.memory_space<hbm>>
        tpu.enqueue_dma source(%dma_start3A_78 : memref<1280xi32, #tpu.memory_space<hbm>>) target(%arg6 : memref<1280xi32, #tpu.memory_space<vmem>>) target_semaphore(%run_scoped3A : memref<!tpu.dma_semaphore, #tpu.memory_space<semaphore_mem>>)
        %dma_wait3A = tpu.memref_slice %arg3[%add3A_64] : memref<327680xi32, #tpu.memory_space<hbm>> -> memref<1280xi32, #tpu.memory_space<hbm>>
        %dma_wait3A_79 = tpu.memref_slice %arg3[%add3A_64] : memref<327680xi32, #tpu.memory_space<hbm>> -> memref<1280xi32, #tpu.memory_space<hbm>>
        tpu.wait_dma2 semaphore(%run_scoped3A : memref<!tpu.dma_semaphore, #tpu.memory_space<semaphore_mem>>) src(%dma_wait3A_79 : memref<1280xi32, #tpu.memory_space<hbm>>) dst(%arg6 : memref<1280xi32, #tpu.memory_space<vmem>>)
        tpu.yield
      }) : () -> ()
      "tpu.region"() ({
        %run_scoped3A = tpu.sem_alloc : memref<!tpu.dma_semaphore, #tpu.memory_space<semaphore_mem>>
        %dma_start3A_77 = tpu.memref_slice %arg4[%add3A_64] : memref<327680xi32, #tpu.memory_space<hbm>> -> memref<1280xi32, #tpu.memory_space<hbm>>
        %dma_start3A_78 = tpu.memref_slice %arg4[%add3A_64] : memref<327680xi32, #tpu.memory_space<hbm>> -> memref<1280xi32, #tpu.memory_space<hbm>>
        tpu.enqueue_dma source(%dma_start3A_78 : memref<1280xi32, #tpu.memory_space<hbm>>) target(%arg7 : memref<1280xi32, #tpu.memory_space<vmem>>) target_semaphore(%run_scoped3A : memref<!tpu.dma_semaphore, #tpu.memory_space<semaphore_mem>>)
        %dma_wait3A = tpu.memref_slice %arg4[%add3A_64] : memref<327680xi32, #tpu.memory_space<hbm>> -> memref<1280xi32, #tpu.memory_space<hbm>>
        %dma_wait3A_79 = tpu.memref_slice %arg4[%add3A_64] : memref<327680xi32, #tpu.memory_space<hbm>> -> memref<1280xi32, #tpu.memory_space<hbm>>
        tpu.wait_dma2 semaphore(%run_scoped3A : memref<!tpu.dma_semaphore, #tpu.memory_space<semaphore_mem>>) src(%dma_wait3A_79 : memref<1280xi32, #tpu.memory_space<hbm>>) dst(%arg7 : memref<1280xi32, #tpu.memory_space<vmem>>)
        tpu.yield
      }) : () -> ()
      %dma_start3A = arith.constant 0 : i32
      %dma_start3A_65 = tpu.memref_slice %arg6[%dma_start3A] : memref<1280xi32, #tpu.memory_space<vmem>> -> memref<128xi32, #tpu.memory_space<vmem>>
      %dma_start3A_66 = arith.constant 0 : i32
      %dma_start3A_67 = arith.constant 0 : i32
      %dma_start3A_68 = tpu.memref_slice %arg2[%dma_start3A_66, %dma_start3A_67] : memref<10000x144xf32, #tpu.memory_space<hbm>> -> memref<10000x144xf32, #tpu.memory_space<hbm>>
      tpu.enqueue_indirect_dma source(%dma_start3A_68 : memref<10000x144xf32, #tpu.memory_space<hbm>>) target(%arg8 : memref<128x144xf32, #tpu.memory_space<vmem>>) offsets(%dma_start3A_65 : memref<128xi32, #tpu.memory_space<vmem>>) semaphore(%arg11 : memref<!tpu.dma_semaphore, #tpu.memory_space<semaphore_mem>>)
      %scan3A_69 = arith.constant 0 : i32
      %scan3A_70 = arith.constant 0 : i32
      %scan3A_71 = arith.constant 5 : i32
      %scan3A_72 = arith.addi %scan3A_70, %scan3A_71 : i32
      %scan3A_73 = arith.constant 1 : i32
      %scan3A_74 = scf.for %scan3A_77 = %scan3A_70 to %scan3A_72 step %scan3A_73 iter_args(%scan3A_78 = %scan3A_69) -> (i32)  : i32 {
        %mul3A_79 = arith.constant 2 : i32
        %mul3A_80 = arith.muli %scan3A_77, %mul3A_79 : i32
        %add3A_81 = arith.constant 0 : i32
        %add3A_82 = arith.addi %mul3A_80, %add3A_81 : i32
        %add3A_83 = arith.constant 1 : i32
        %add3A_84 = arith.addi %add3A_82, %add3A_83 : i32
        %mul3A_85 = arith.constant 128 : i32
        %mul3A_86 = arith.muli %add3A_84, %mul3A_85 : i32
        %dma_start3A_87 = tpu.memref_slice %arg6[%mul3A_86] : memref<1280xi32, #tpu.memory_space<vmem>> -> memref<128xi32, #tpu.memory_space<vmem>>
        %dma_start3A_88 = arith.constant 0 : i32
        %dma_start3A_89 = arith.constant 0 : i32
        %dma_start3A_90 = tpu.memref_slice %arg2[%dma_start3A_88, %dma_start3A_89] : memref<10000x144xf32, #tpu.memory_space<hbm>> -> memref<10000x144xf32, #tpu.memory_space<hbm>>
        tpu.enqueue_indirect_dma source(%dma_start3A_90 : memref<10000x144xf32, #tpu.memory_space<hbm>>) target(%arg9 : memref<128x144xf32, #tpu.memory_space<vmem>>) offsets(%dma_start3A_87 : memref<128xi32, #tpu.memory_space<vmem>>) semaphore(%arg12 : memref<!tpu.dma_semaphore, #tpu.memory_space<semaphore_mem>>)
        %mul3A_91 = arith.constant 128 : i32
        %mul3A_92 = arith.muli %add3A_82, %mul3A_91 : i32
        %dma_wait3A = tpu.memref_slice %arg6[%mul3A_92] : memref<1280xi32, #tpu.memory_space<vmem>> -> memref<128xi32, #tpu.memory_space<vmem>>
        %dma_wait3A_93 = arith.constant 0 : i32
        %dma_wait3A_94 = arith.constant 0 : i32
        %dma_wait3A_95 = tpu.memref_slice %arg2[%dma_wait3A_93, %dma_wait3A_94] : memref<10000x144xf32, #tpu.memory_space<hbm>> -> memref<10000x144xf32, #tpu.memory_space<hbm>>
        tpu.wait_indirect_dma semaphore(%arg11 : memref<!tpu.dma_semaphore, #tpu.memory_space<semaphore_mem>>) src(%dma_wait3A_95 : memref<10000x144xf32, #tpu.memory_space<hbm>>) dst(%arg8 : memref<128x144xf32, #tpu.memory_space<vmem>>)
        %mul3A_96 = arith.constant 128 : i32
        %mul3A_97 = arith.muli %add3A_82, %mul3A_96 : i32
        "tpu.region"() ({
          %run_scoped3A = tpu.sem_alloc : memref<!tpu.dma_semaphore, #tpu.memory_space<semaphore_mem>>
          %dma_start3A_115 = tpu.memref_slice %arg7[%mul3A_97] : memref<1280xi32, #tpu.memory_space<vmem>> -> memref<128xi32, #tpu.memory_space<vmem>>
          %dma_start3A_116 = arith.constant 0 : i32
          %dma_start3A_117 = arith.constant 0 : i32
          %dma_start3A_118 = tpu.memref_slice %arg10[%dma_start3A_116, %dma_start3A_117] : memref<10008x144xf32, #tpu.memory_space<vmem_shared>> -> memref<10008x144xf32, #tpu.memory_space<vmem_shared>>
          tpu.enqueue_indirect_dma source(%arg8 : memref<128x144xf32, #tpu.memory_space<vmem>>) target(%dma_start3A_118 : memref<10008x144xf32, #tpu.memory_space<vmem_shared>>) offsets(%dma_start3A_115 : memref<128xi32, #tpu.memory_space<vmem>>) semaphore(%run_scoped3A : memref<!tpu.dma_semaphore, #tpu.memory_space<semaphore_mem>>) {add = true}
          %dma_wait3A_119 = tpu.memref_slice %arg7[%mul3A_97] : memref<1280xi32, #tpu.memory_space<vmem>> -> memref<128xi32, #tpu.memory_space<vmem>>
          %dma_wait3A_120 = arith.constant 0 : i32
          %dma_wait3A_121 = arith.constant 0 : i32
          %dma_wait3A_122 = tpu.memref_slice %arg10[%dma_wait3A_120, %dma_wait3A_121] : memref<10008x144xf32, #tpu.memory_space<vmem_shared>> -> memref<10008x144xf32, #tpu.memory_space<vmem_shared>>
          tpu.wait_indirect_dma semaphore(%run_scoped3A : memref<!tpu.dma_semaphore, #tpu.memory_space<semaphore_mem>>) src(%arg8 : memref<128x144xf32, #tpu.memory_space<vmem>>) dst(%dma_wait3A_122 : memref<10008x144xf32, #tpu.memory_space<vmem_shared>>)
          tpu.yield
        }) : () -> ()
        %mul3A_98 = arith.constant 2 : i32
        %mul3A_99 = arith.muli %scan3A_77, %mul3A_98 : i32
        %add3A_100 = arith.constant 1 : i32
        %add3A_101 = arith.addi %mul3A_99, %add3A_100 : i32
        %add3A_102 = arith.constant 1 : i32
        %add3A_103 = arith.addi %add3A_101, %add3A_102 : i32
        %lt3A = arith.constant 10 : i32
        %lt3A_104 = arith.cmpi slt, %add3A_103, %lt3A : i32
        %convert_element_type3A = arith.extui %lt3A_104 : i1 to i32
        %cond3A = arith.constant 0 : i32
        %cond3A_105 = arith.cmpi ne, %convert_element_type3A, %cond3A : i32
        scf.if %cond3A_105 {
          %add3A_115 = arith.constant 1 : i32
          %add3A_116 = arith.addi %add3A_101, %add3A_115 : i32
          %mul3A_117 = arith.constant 128 : i32
          %mul3A_118 = arith.muli %add3A_116, %mul3A_117 : i32
          %dma_start3A_119 = tpu.memref_slice %arg6[%mul3A_118] : memref<1280xi32, #tpu.memory_space<vmem>> -> memref<128xi32, #tpu.memory_space<vmem>>
          %dma_start3A_120 = arith.constant 0 : i32
          %dma_start3A_121 = arith.constant 0 : i32
          %dma_start3A_122 = tpu.memref_slice %arg2[%dma_start3A_120, %dma_start3A_121] : memref<10000x144xf32, #tpu.memory_space<hbm>> -> memref<10000x144xf32, #tpu.memory_space<hbm>>
          tpu.enqueue_indirect_dma source(%dma_start3A_122 : memref<10000x144xf32, #tpu.memory_space<hbm>>) target(%arg8 : memref<128x144xf32, #tpu.memory_space<vmem>>) offsets(%dma_start3A_119 : memref<128xi32, #tpu.memory_space<vmem>>) semaphore(%arg11 : memref<!tpu.dma_semaphore, #tpu.memory_space<semaphore_mem>>)
        } else {
        }
        %mul3A_106 = arith.constant 128 : i32
        %mul3A_107 = arith.muli %add3A_101, %mul3A_106 : i32
        %dma_wait3A_108 = tpu.memref_slice %arg6[%mul3A_107] : memref<1280xi32, #tpu.memory_space<vmem>> -> memref<128xi32, #tpu.memory_space<vmem>>
        %dma_wait3A_109 = arith.constant 0 : i32
        %dma_wait3A_110 = arith.constant 0 : i32
        %dma_wait3A_111 = tpu.memref_slice %arg2[%dma_wait3A_109, %dma_wait3A_110] : memref<10000x144xf32, #tpu.memory_space<hbm>> -> memref<10000x144xf32, #tpu.memory_space<hbm>>
        tpu.wait_indirect_dma semaphore(%arg12 : memref<!tpu.dma_semaphore, #tpu.memory_space<semaphore_mem>>) src(%dma_wait3A_111 : memref<10000x144xf32, #tpu.memory_space<hbm>>) dst(%arg9 : memref<128x144xf32, #tpu.memory_space<vmem>>)
        %mul3A_112 = arith.constant 128 : i32
        %mul3A_113 = arith.muli %add3A_101, %mul3A_112 : i32
        "tpu.region"() ({
          %run_scoped3A = tpu.sem_alloc : memref<!tpu.dma_semaphore, #tpu.memory_space<semaphore_mem>>
          %dma_start3A_115 = tpu.memref_slice %arg7[%mul3A_113] : memref<1280xi32, #tpu.memory_space<vmem>> -> memref<128xi32, #tpu.memory_space<vmem>>
          %dma_start3A_116 = arith.constant 0 : i32
          %dma_start3A_117 = arith.constant 0 : i32
          %dma_start3A_118 = tpu.memref_slice %arg10[%dma_start3A_116, %dma_start3A_117] : memref<10008x144xf32, #tpu.memory_space<vmem_shared>> -> memref<10008x144xf32, #tpu.memory_space<vmem_shared>>
          tpu.enqueue_indirect_dma source(%arg9 : memref<128x144xf32, #tpu.memory_space<vmem>>) target(%dma_start3A_118 : memref<10008x144xf32, #tpu.memory_space<vmem_shared>>) offsets(%dma_start3A_115 : memref<128xi32, #tpu.memory_space<vmem>>) semaphore(%run_scoped3A : memref<!tpu.dma_semaphore, #tpu.memory_space<semaphore_mem>>) {add = true}
          %dma_wait3A_119 = tpu.memref_slice %arg7[%mul3A_113] : memref<1280xi32, #tpu.memory_space<vmem>> -> memref<128xi32, #tpu.memory_space<vmem>>
          %dma_wait3A_120 = arith.constant 0 : i32
          %dma_wait3A_121 = arith.constant 0 : i32
          %dma_wait3A_122 = tpu.memref_slice %arg10[%dma_wait3A_120, %dma_wait3A_121] : memref<10008x144xf32, #tpu.memory_space<vmem_shared>> -> memref<10008x144xf32, #tpu.memory_space<vmem_shared>>
          tpu.wait_indirect_dma semaphore(%run_scoped3A : memref<!tpu.dma_semaphore, #tpu.memory_space<semaphore_mem>>) src(%arg9 : memref<128x144xf32, #tpu.memory_space<vmem>>) dst(%dma_wait3A_122 : memref<10008x144xf32, #tpu.memory_space<vmem_shared>>)
          tpu.yield
        }) : () -> ()
        %scan3A_114 = arith.constant 0 : i32
        scf.yield %scan3A_114 : i32
      }
      %scan3A_75 = arith.constant 5 : i32
      %while3A_76 = arith.constant 0 : i32
      scf.yield %while3A_76 : i32
    }
    %barrier3A_55 = arith.constant 0 : index
    tpu.barrier barrier_id(%barrier3A_55)
    "tpu.trace_stop"() : () -> ()
    "tpu.trace_start"() <{level = 10 : i32, message = "flush"}> : () -> ()
    %mul3A_56 = arith.constant 625 : i32
    %mul3A_57 = arith.muli %arg1, %mul3A_56 : i32
    %mul3A_58 = arith.constant 625 : i32
    %mul3A_59 = arith.muli %arg1, %mul3A_58 : i32
    "tpu.region"() ({
      %run_scoped3A = tpu.sem_alloc : memref<!tpu.dma_semaphore, #tpu.memory_space<semaphore_mem>>
      %dma_start3A = arith.constant 0 : i32
      %dma_start3A_60 = tpu.memref_slice %arg5[%arg0, %mul3A_59, %dma_start3A] : memref<2x10000x144xf32, #tpu.memory_space<hbm>> -> memref<1x625x144xf32, #tpu.memory_space<hbm>>
      %dma_start3A_61 = tpu.memref_squeeze %dma_start3A_60 : memref<1x625x144xf32, #tpu.memory_space<hbm>> -> memref<625x144xf32, #tpu.memory_space<hbm>>
      %dma_start3A_62 = arith.constant 0 : i32
      %dma_start3A_63 = tpu.memref_slice %arg10[%mul3A_57, %dma_start3A_62] : memref<10008x144xf32, #tpu.memory_space<vmem_shared>> -> memref<625x144xf32, #tpu.memory_space<vmem_shared>>
      tpu.enqueue_dma source(%dma_start3A_63 : memref<625x144xf32, #tpu.memory_space<vmem_shared>>) target(%dma_start3A_61 : memref<625x144xf32, #tpu.memory_space<hbm>>) target_semaphore(%run_scoped3A : memref<!tpu.dma_semaphore, #tpu.memory_space<semaphore_mem>>)
      %dma_wait3A = arith.constant 0 : i32
      %dma_wait3A_64 = tpu.memref_slice %arg5[%arg0, %mul3A_59, %dma_wait3A] : memref<2x10000x144xf32, #tpu.memory_space<hbm>> -> memref<1x625x144xf32, #tpu.memory_space<hbm>>
      %dma_wait3A_65 = tpu.memref_squeeze %dma_wait3A_64 : memref<1x625x144xf32, #tpu.memory_space<hbm>> -> memref<625x144xf32, #tpu.memory_space<hbm>>
      %dma_wait3A_66 = arith.constant 0 : i32
      %dma_wait3A_67 = tpu.memref_slice %arg10[%mul3A_57, %dma_wait3A_66] : memref<10008x144xf32, #tpu.memory_space<vmem_shared>> -> memref<625x144xf32, #tpu.memory_space<vmem_shared>>
      tpu.wait_dma2 semaphore(%run_scoped3A : memref<!tpu.dma_semaphore, #tpu.memory_space<semaphore_mem>>) src(%dma_wait3A_67 : memref<625x144xf32, #tpu.memory_space<vmem_shared>>) dst(%dma_wait3A_65 : memref<625x144xf32, #tpu.memory_space<hbm>>)
      tpu.yield
    }) : () -> ()
    "tpu.trace_stop"() : () -> ()
    return
  }
}

module attributes {stable_mosaic.version = 14 : i64} {
  func.func @_tc_project_body(%arg0: i32, %arg1: memref<1000x128xf32, #tpu.memory_space<vmem>>, %arg2: memref<128x128xf32, #tpu.memory_space<vmem>>, %arg3: memref<1000x144xf32, #tpu.memory_space<vmem>>) attributes {dimension_semantics = [#tpu.dimension_semantics<arbitrary>], iteration_bounds = array<i64: 10>, scalar_prefetch = 0 : i64, scratch_operands = 0 : i64, tpu.core_type = #tpu.core_type<tc>, window_params = [{transform_indices = @transform_0, window_bounds = array<i64: 1000, 128>}, {pipeline_mode = #tpu.pipeline_mode<synchronous>, transform_indices = @transform_1, window_bounds = array<i64: 128, 128>}, {transform_indices = @transform_2, window_bounds = array<i64: 1000, 144>}]} {
    %get3A = arith.constant 0 : index
    %get3A_0 = arith.constant 0 : index
    %get3A_1 = vector.load %arg1[%get3A, %get3A_0] : memref<1000x128xf32, #tpu.memory_space<vmem>>, vector<1000x128xf32>
    %get3A_2 = arith.constant 0 : index
    %get3A_3 = arith.constant 0 : index
    %get3A_4 = vector.load %arg2[%get3A_2, %get3A_3] : memref<128x128xf32, #tpu.memory_space<vmem>>, vector<128x128xf32>
    %dot_general3A = arith.constant dense<0.000000e+00> : vector<1000x128xf32>
    %dot_general3A_5 = tpu.matmul %get3A_1, %get3A_4, %dot_general3A {dimension_numbers = #tpu.dot_dimension_numbers<[1], [0], [0], [1], [0, 0, 1, 1], [], []>, transpose_lhs_hint = false} : vector<1000x128xf32>, vector<128x128xf32>, vector<1000x128xf32> -> vector<1000x128xf32>
    %swap3A = arith.constant 0 : index
    %swap3A_6 = arith.constant 0 : index
    %swap3A_7 = vector.load %arg3[%swap3A, %swap3A_6] : memref<1000x144xf32, #tpu.memory_space<vmem>>, vector<1000x128xf32>
    tpu.vector_store %arg3[%swap3A, %swap3A_6], %dot_general3A_5 {strides = array<i32>} : memref<1000x144xf32, #tpu.memory_space<vmem>>, vector<1000x128xf32>,
    %iota3A = tpu.iota {dimensions = array<i32: 1>} : vector<1000x16xi32>
    %eq3A = arith.constant 0 : i32
    %eq3A_8 = vector.broadcast %eq3A : i32 to vector<1000x16xi32>
    %eq3A_9 = arith.cmpi eq, %iota3A, %eq3A_8 : vector<1000x16xi32>
    %convert_element_type3A = arith.extui %eq3A_9 : vector<1000x16xi1> to vector<1000x16xi32>
    %convert_element_type3A_10 = arith.sitofp %convert_element_type3A : vector<1000x16xi32> to vector<1000x16xf32>
    %swap3A_11 = arith.constant 0 : index
    %swap3A_12 = arith.constant 128 : index
    %swap3A_13 = vector.load %arg3[%swap3A_11, %swap3A_12] : memref<1000x144xf32, #tpu.memory_space<vmem>>, vector<1000x16xf32>
    tpu.vector_store %arg3[%swap3A_11, %swap3A_12], %convert_element_type3A_10 {strides = array<i32>} : memref<1000x144xf32, #tpu.memory_space<vmem>>, vector<1000x16xf32>,
    return
  }
  func.func @transform_0(%arg0: i32) -> (i32, i32) {
    %c0_i32 = arith.constant 0 : i32
    %c0_i32_0 = arith.constant 0 : i32
    return %arg0, %c0_i32 : i32, i32
  }
  func.func @transform_1(%arg0: i32) -> (i32, i32) {
    %c0_i32 = arith.constant 0 : i32
    %c0_i32_0 = arith.constant 0 : i32
    %c0_i32_1 = arith.constant 0 : i32
    return %c0_i32, %c0_i32_0 : i32, i32
  }
  func.func @transform_2(%arg0: i32) -> (i32, i32) {
    %c0_i32 = arith.constant 0 : i32
    %c0_i32_0 = arith.constant 0 : i32
    return %arg0, %c0_i32 : i32, i32
  }
}

module attributes {stable_mosaic.version = 14 : i64} {
  func.func @_tc_combine_body(%arg0: i32, %arg1: memref<2x1000x144xf32, #tpu.memory_space<vmem>>, %arg2: memref<1000x128xf32, #tpu.memory_space<vmem>>, %arg3: memref<128x128xf32, #tpu.memory_space<vmem>>, %arg4: memref<1x128xf32, #tpu.memory_space<vmem>>, %arg5: memref<128x128xf32, #tpu.memory_space<vmem>>, %arg6: memref<1000x128xf32, #tpu.memory_space<vmem>>, %arg7: memref<1000x144xf32, #tpu.memory_space<vmem>>) attributes {dimension_semantics = [#tpu.dimension_semantics<arbitrary>], iteration_bounds = array<i64: 10>, scalar_prefetch = 0 : i64, scratch_operands = 0 : i64, tpu.core_type = #tpu.core_type<tc>, window_params = [{transform_indices = @transform_0, window_bounds = array<i64: 2, 1000, 144>}, {transform_indices = @transform_1, window_bounds = array<i64: 1000, 128>}, {pipeline_mode = #tpu.pipeline_mode<synchronous>, transform_indices = @transform_2, window_bounds = array<i64: 128, 128>}, {pipeline_mode = #tpu.pipeline_mode<synchronous>, transform_indices = @transform_3, window_bounds = array<i64: 1, 128>}, {pipeline_mode = #tpu.pipeline_mode<synchronous>, transform_indices = @transform_4, window_bounds = array<i64: 128, 128>}, {transform_indices = @transform_5, window_bounds = array<i64: 1000, 128>}, {transform_indices = @transform_6, window_bounds = array<i64: 1000, 144>}]} {
    %get3A = arith.constant 0 : index
    %get3A_0 = arith.constant 0 : index
    %get3A_1 = arith.constant 0 : index
    %get3A_2 = vector.load %arg1[%get3A, %get3A_0, %get3A_1] : memref<2x1000x144xf32, #tpu.memory_space<vmem>>, vector<1x1000x144xf32>
    %get3A_3 = vector.shape_cast %get3A_2 : vector<1x1000x144xf32> to vector<1000x144xf32>
    %get3A_4 = arith.constant 1 : index
    %get3A_5 = arith.constant 0 : index
    %get3A_6 = arith.constant 0 : index
    %get3A_7 = vector.load %arg1[%get3A_4, %get3A_5, %get3A_6] : memref<2x1000x144xf32, #tpu.memory_space<vmem>>, vector<1x1000x144xf32>
    %get3A_8 = vector.shape_cast %get3A_7 : vector<1x1000x144xf32> to vector<1000x144xf32>
    %add3A = arith.addf %get3A_3, %get3A_8 : vector<1000x144xf32>
    %slice3A = vector.extract_strided_slice %add3A {offsets = [0, 0], sizes = [1000, 128], strides = [1, 1]} : vector<1000x144xf32> to vector<1000x128xf32>
    %slice3A_9 = vector.extract_strided_slice %add3A {offsets = [0, 128], sizes = [1000, 1], strides = [1, 1]} : vector<1000x144xf32> to vector<1000x1xf32>
    %max3A = arith.constant 1.000000e+00 : f32
    %max3A_10 = vector.broadcast %max3A : f32 to vector<1000x1xf32>
    %max3A_11 = arith.maximumf %slice3A_9, %max3A_10 : vector<1000x1xf32>
    %div3A = arith.constant 1.000000e+00 : f32
    %div3A_12 = vector.broadcast %div3A : f32 to vector<1000x1xf32>
    %div3A_13 = arith.divf %div3A_12, %max3A_11 : vector<1000x1xf32>
    %mul3A = vector.broadcast %div3A_13 : vector<1000x1xf32> to vector<1000x128xf32>
    %mul3A_14 = arith.mulf %slice3A, %mul3A : vector<1000x128xf32>
    %get3A_15 = arith.constant 0 : index
    %get3A_16 = arith.constant 0 : index
    %get3A_17 = vector.load %arg4[%get3A_15, %get3A_16] : memref<1x128xf32, #tpu.memory_space<vmem>>, vector<1x128xf32>
    %add3A_18 = vector.broadcast %get3A_17 : vector<1x128xf32> to vector<1000x128xf32>
    %add3A_19 = arith.addf %mul3A_14, %add3A_18 : vector<1000x128xf32>
    %get3A_20 = arith.constant 0 : index
    %get3A_21 = arith.constant 0 : index
    %get3A_22 = vector.load %arg2[%get3A_20, %get3A_21] : memref<1000x128xf32, #tpu.memory_space<vmem>>, vector<1000x128xf32>
    %get3A_23 = arith.constant 0 : index
    %get3A_24 = arith.constant 0 : index
    %get3A_25 = vector.load %arg3[%get3A_23, %get3A_24] : memref<128x128xf32, #tpu.memory_space<vmem>>, vector<128x128xf32>
    %dot_general3A = arith.constant dense<0.000000e+00> : vector<1000x128xf32>
    %dot_general3A_26 = tpu.matmul %get3A_22, %get3A_25, %dot_general3A {dimension_numbers = #tpu.dot_dimension_numbers<[1], [0], [0], [1], [0, 0, 1, 1], [], []>, transpose_lhs_hint = false} : vector<1000x128xf32>, vector<128x128xf32>, vector<1000x128xf32> -> vector<1000x128xf32>
    %add3A_27 = arith.addf %add3A_19, %dot_general3A_26 : vector<1000x128xf32>
    %mul3A_28 = arith.mulf %add3A_27, %add3A_27 : vector<1000x128xf32>
    %reduce_sum3A = arith.constant dense<0.000000e+00> : vector<1000xf32>
    %reduce_sum3A_29 = vector.multi_reduction <add>, %mul3A_28, %reduce_sum3A [1] : vector<1000x128xf32> to vector<1000xf32>
    %broadcast_in_dim3A = vector.shape_cast %reduce_sum3A_29 : vector<1000xf32> to vector<1000x1xf32>
    %sqrt3A = math.sqrt %broadcast_in_dim3A : vector<1000x1xf32>
    %max3A_30 = arith.constant 9.99999996E-13 : f32
    %max3A_31 = vector.broadcast %max3A_30 : f32 to vector<1000x1xf32>
    %max3A_32 = arith.maximumf %sqrt3A, %max3A_31 : vector<1000x1xf32>
    %div3A_33 = vector.broadcast %max3A_32 : vector<1000x1xf32> to vector<1000x128xf32>
    %div3A_34 = arith.divf %add3A_27, %div3A_33 : vector<1000x128xf32>
    %max3A_35 = arith.constant 0.000000e+00 : f32
    %max3A_36 = vector.broadcast %max3A_35 : f32 to vector<1000x128xf32>
    %max3A_37 = arith.maximumf %div3A_34, %max3A_36 : vector<1000x128xf32>
    %swap3A = arith.constant 0 : index
    %swap3A_38 = arith.constant 0 : index
    %swap3A_39 = vector.load %arg6[%swap3A, %swap3A_38] : memref<1000x128xf32, #tpu.memory_space<vmem>>, vector<1000x128xf32>
    tpu.vector_store %arg6[%swap3A, %swap3A_38], %max3A_37 {strides = array<i32>} : memref<1000x128xf32, #tpu.memory_space<vmem>>, vector<1000x128xf32>,
    %get3A_40 = arith.constant 0 : index
    %get3A_41 = arith.constant 0 : index
    %get3A_42 = vector.load %arg5[%get3A_40, %get3A_41] : memref<128x128xf32, #tpu.memory_space<vmem>>, vector<128x128xf32>
    %dot_general3A_43 = arith.constant dense<0.000000e+00> : vector<1000x128xf32>
    %dot_general3A_44 = tpu.matmul %max3A_37, %get3A_42, %dot_general3A_43 {dimension_numbers = #tpu.dot_dimension_numbers<[1], [0], [0], [1], [0, 0, 1, 1], [], []>, transpose_lhs_hint = false} : vector<1000x128xf32>, vector<128x128xf32>, vector<1000x128xf32> -> vector<1000x128xf32>
    %swap3A_45 = arith.constant 0 : index
    %swap3A_46 = arith.constant 0 : index
    %swap3A_47 = vector.load %arg7[%swap3A_45, %swap3A_46] : memref<1000x144xf32, #tpu.memory_space<vmem>>, vector<1000x128xf32>
    tpu.vector_store %arg7[%swap3A_45, %swap3A_46], %dot_general3A_44 {strides = array<i32>} : memref<1000x144xf32, #tpu.memory_space<vmem>>, vector<1000x128xf32>,
    %iota3A = tpu.iota {dimensions = array<i32: 1>} : vector<1000x16xi32>
    %eq3A = arith.constant 0 : i32
    %eq3A_48 = vector.broadcast %eq3A : i32 to vector<1000x16xi32>
    %eq3A_49 = arith.cmpi eq, %iota3A, %eq3A_48 : vector<1000x16xi32>
    %convert_element_type3A = arith.extui %eq3A_49 : vector<1000x16xi1> to vector<1000x16xi32>
    %convert_element_type3A_50 = arith.sitofp %convert_element_type3A : vector<1000x16xi32> to vector<1000x16xf32>
    %swap3A_51 = arith.constant 0 : index
    %swap3A_52 = arith.constant 128 : index
    %swap3A_53 = vector.load %arg7[%swap3A_51, %swap3A_52] : memref<1000x144xf32, #tpu.memory_space<vmem>>, vector<1000x16xf32>
    tpu.vector_store %arg7[%swap3A_51, %swap3A_52], %convert_element_type3A_50 {strides = array<i32>} : memref<1000x144xf32, #tpu.memory_space<vmem>>, vector<1000x16xf32>,
    return
  }
  func.func @transform_0(%arg0: i32) -> (i32, i32, i32) {
    %c0_i32 = arith.constant 0 : i32
    %c0_i32_0 = arith.constant 0 : i32
    %c0_i32_1 = arith.constant 0 : i32
    return %c0_i32, %arg0, %c0_i32_0 : i32, i32, i32
  }
  func.func @transform_1(%arg0: i32) -> (i32, i32) {
    %c0_i32 = arith.constant 0 : i32
    %c0_i32_0 = arith.constant 0 : i32
    return %arg0, %c0_i32 : i32, i32
  }
  func.func @transform_2(%arg0: i32) -> (i32, i32) {
    %c0_i32 = arith.constant 0 : i32
    %c0_i32_0 = arith.constant 0 : i32
    %c0_i32_1 = arith.constant 0 : i32
    return %c0_i32, %c0_i32_0 : i32, i32
  }
  func.func @transform_3(%arg0: i32) -> (i32, i32) {
    %c0_i32 = arith.constant 0 : i32
    %c0_i32_0 = arith.constant 0 : i32
    %c0_i32_1 = arith.constant 0 : i32
    return %c0_i32, %c0_i32_0 : i32, i32
  }
  func.func @transform_4(%arg0: i32) -> (i32, i32) {
    %c0_i32 = arith.constant 0 : i32
    %c0_i32_0 = arith.constant 0 : i32
    %c0_i32_1 = arith.constant 0 : i32
    return %c0_i32, %c0_i32_0 : i32, i32
  }
  func.func @transform_5(%arg0: i32) -> (i32, i32) {
    %c0_i32 = arith.constant 0 : i32
    %c0_i32_0 = arith.constant 0 : i32
    return %arg0, %c0_i32 : i32, i32
  }
  func.func @transform_6(%arg0: i32) -> (i32, i32) {
    %c0_i32 = arith.constant 0 : i32
    %c0_i32_0 = arith.constant 0 : i32
    return %arg0, %c0_i32 : i32, i32
  }
}

module attributes {stable_mosaic.version = 14 : i64} {
  func.func @_tc_combine_body(%arg0: i32, %arg1: memref<2x1000x144xf32, #tpu.memory_space<vmem>>, %arg2: memref<1000x128xf32, #tpu.memory_space<vmem>>, %arg3: memref<128x128xf32, #tpu.memory_space<vmem>>, %arg4: memref<1x128xf32, #tpu.memory_space<vmem>>, %arg5: memref<128x128xf32, #tpu.memory_space<vmem>>, %arg6: memref<1000x128xf32, #tpu.memory_space<vmem>>) attributes {dimension_semantics = [#tpu.dimension_semantics<arbitrary>], iteration_bounds = array<i64: 10>, scalar_prefetch = 0 : i64, scratch_operands = 0 : i64, tpu.core_type = #tpu.core_type<tc>, window_params = [{transform_indices = @transform_0, window_bounds = array<i64: 2, 1000, 144>}, {transform_indices = @transform_1, window_bounds = array<i64: 1000, 128>}, {pipeline_mode = #tpu.pipeline_mode<synchronous>, transform_indices = @transform_2, window_bounds = array<i64: 128, 128>}, {pipeline_mode = #tpu.pipeline_mode<synchronous>, transform_indices = @transform_3, window_bounds = array<i64: 1, 128>}, {pipeline_mode = #tpu.pipeline_mode<synchronous>, transform_indices = @transform_4, window_bounds = array<i64: 128, 128>}, {transform_indices = @transform_5, window_bounds = array<i64: 1000, 128>}]} {
    %get3A = arith.constant 0 : index
    %get3A_0 = arith.constant 0 : index
    %get3A_1 = arith.constant 0 : index
    %get3A_2 = vector.load %arg1[%get3A, %get3A_0, %get3A_1] : memref<2x1000x144xf32, #tpu.memory_space<vmem>>, vector<1x1000x144xf32>
    %get3A_3 = vector.shape_cast %get3A_2 : vector<1x1000x144xf32> to vector<1000x144xf32>
    %get3A_4 = arith.constant 1 : index
    %get3A_5 = arith.constant 0 : index
    %get3A_6 = arith.constant 0 : index
    %get3A_7 = vector.load %arg1[%get3A_4, %get3A_5, %get3A_6] : memref<2x1000x144xf32, #tpu.memory_space<vmem>>, vector<1x1000x144xf32>
    %get3A_8 = vector.shape_cast %get3A_7 : vector<1x1000x144xf32> to vector<1000x144xf32>
    %add3A = arith.addf %get3A_3, %get3A_8 : vector<1000x144xf32>
    %slice3A = vector.extract_strided_slice %add3A {offsets = [0, 0], sizes = [1000, 128], strides = [1, 1]} : vector<1000x144xf32> to vector<1000x128xf32>
    %slice3A_9 = vector.extract_strided_slice %add3A {offsets = [0, 128], sizes = [1000, 1], strides = [1, 1]} : vector<1000x144xf32> to vector<1000x1xf32>
    %max3A = arith.constant 1.000000e+00 : f32
    %max3A_10 = vector.broadcast %max3A : f32 to vector<1000x1xf32>
    %max3A_11 = arith.maximumf %slice3A_9, %max3A_10 : vector<1000x1xf32>
    %div3A = arith.constant 1.000000e+00 : f32
    %div3A_12 = vector.broadcast %div3A : f32 to vector<1000x1xf32>
    %div3A_13 = arith.divf %div3A_12, %max3A_11 : vector<1000x1xf32>
    %mul3A = vector.broadcast %div3A_13 : vector<1000x1xf32> to vector<1000x128xf32>
    %mul3A_14 = arith.mulf %slice3A, %mul3A : vector<1000x128xf32>
    %get3A_15 = arith.constant 0 : index
    %get3A_16 = arith.constant 0 : index
    %get3A_17 = vector.load %arg4[%get3A_15, %get3A_16] : memref<1x128xf32, #tpu.memory_space<vmem>>, vector<1x128xf32>
    %add3A_18 = vector.broadcast %get3A_17 : vector<1x128xf32> to vector<1000x128xf32>
    %add3A_19 = arith.addf %mul3A_14, %add3A_18 : vector<1000x128xf32>
    %get3A_20 = arith.constant 0 : index
    %get3A_21 = arith.constant 0 : index
    %get3A_22 = vector.load %arg2[%get3A_20, %get3A_21] : memref<1000x128xf32, #tpu.memory_space<vmem>>, vector<1000x128xf32>
    %get3A_23 = arith.constant 0 : index
    %get3A_24 = arith.constant 0 : index
    %get3A_25 = vector.load %arg3[%get3A_23, %get3A_24] : memref<128x128xf32, #tpu.memory_space<vmem>>, vector<128x128xf32>
    %dot_general3A = arith.constant dense<0.000000e+00> : vector<1000x128xf32>
    %dot_general3A_26 = tpu.matmul %get3A_22, %get3A_25, %dot_general3A {dimension_numbers = #tpu.dot_dimension_numbers<[1], [0], [0], [1], [0, 0, 1, 1], [], []>, transpose_lhs_hint = false} : vector<1000x128xf32>, vector<128x128xf32>, vector<1000x128xf32> -> vector<1000x128xf32>
    %add3A_27 = arith.addf %add3A_19, %dot_general3A_26 : vector<1000x128xf32>
    %mul3A_28 = arith.mulf %add3A_27, %add3A_27 : vector<1000x128xf32>
    %reduce_sum3A = arith.constant dense<0.000000e+00> : vector<1000xf32>
    %reduce_sum3A_29 = vector.multi_reduction <add>, %mul3A_28, %reduce_sum3A [1] : vector<1000x128xf32> to vector<1000xf32>
    %broadcast_in_dim3A = vector.shape_cast %reduce_sum3A_29 : vector<1000xf32> to vector<1000x1xf32>
    %sqrt3A = math.sqrt %broadcast_in_dim3A : vector<1000x1xf32>
    %max3A_30 = arith.constant 9.99999996E-13 : f32
    %max3A_31 = vector.broadcast %max3A_30 : f32 to vector<1000x1xf32>
    %max3A_32 = arith.maximumf %sqrt3A, %max3A_31 : vector<1000x1xf32>
    %div3A_33 = vector.broadcast %max3A_32 : vector<1000x1xf32> to vector<1000x128xf32>
    %div3A_34 = arith.divf %add3A_27, %div3A_33 : vector<1000x128xf32>
    %swap3A = arith.constant 0 : index
    %swap3A_35 = arith.constant 0 : index
    %swap3A_36 = vector.load %arg6[%swap3A, %swap3A_35] : memref<1000x128xf32, #tpu.memory_space<vmem>>, vector<1000x128xf32>
    tpu.vector_store %arg6[%swap3A, %swap3A_35], %div3A_34 {strides = array<i32>} : memref<1000x128xf32, #tpu.memory_space<vmem>>, vector<1000x128xf32>,
    return
  }
  func.func @transform_0(%arg0: i32) -> (i32, i32, i32) {
    %c0_i32 = arith.constant 0 : i32
    %c0_i32_0 = arith.constant 0 : i32
    %c0_i32_1 = arith.constant 0 : i32
    return %c0_i32, %arg0, %c0_i32_0 : i32, i32, i32
  }
  func.func @transform_1(%arg0: i32) -> (i32, i32) {
    %c0_i32 = arith.constant 0 : i32
    %c0_i32_0 = arith.constant 0 : i32
    return %arg0, %c0_i32 : i32, i32
  }
  func.func @transform_2(%arg0: i32) -> (i32, i32) {
    %c0_i32 = arith.constant 0 : i32
    %c0_i32_0 = arith.constant 0 : i32
    %c0_i32_1 = arith.constant 0 : i32
    return %c0_i32, %c0_i32_0 : i32, i32
  }
  func.func @transform_3(%arg0: i32) -> (i32, i32) {
    %c0_i32 = arith.constant 0 : i32
    %c0_i32_0 = arith.constant 0 : i32
    %c0_i32_1 = arith.constant 0 : i32
    return %c0_i32, %c0_i32_0 : i32, i32
  }
  func.func @transform_4(%arg0: i32) -> (i32, i32) {
    %c0_i32 = arith.constant 0 : i32
    %c0_i32_0 = arith.constant 0 : i32
    %c0_i32_1 = arith.constant 0 : i32
    return %c0_i32, %c0_i32_0 : i32, i32
  }
  func.func @transform_5(%arg0: i32) -> (i32, i32) {
    %c0_i32 = arith.constant 0 : i32
    %c0_i32_0 = arith.constant 0 : i32
    return %arg0, %c0_i32 : i32, i32
  }
}

</mosaic_0001>

<sc_bundles>
// kernel: kernel.10.cloned.1.call-start
scs
__scs_entry_jumppad:
0x0: {  	(pc) =	sbr.rel $0x88, $3  }
0x1: {  	(tag) =	ssettag $0x0;
	lr =	simm.s32 $0x1  }
0x2: {  	[smem:$0x3F99] =	sst lr;
	_ =	strace $0xD0000000  }
0x3: {  	_ = 	snop  }
0x4: {  	_ = 	snop  }
0x5: {  	_ = 	snop  }
0x6: {  	_ = 	snop  }
0x7: {  	_ = 	snop  }
__scs_overlays_trampoline_lowered:
0x8: {  	[smem:$0x3FA8] =	sst s0  }
0x9: {  	[smem:$0x3FA9] =	sst s1  }
0xa: {  	[smem:$0x3FAA] =	sst s2  }
0xb: {  	[smem:$0x3FAB] =	sst s3  }
0xc: {  	[smem:$0x3FAC] =	sst s4  }
0xd: {  	[smem:$0x3FAD] =	sst s5  }
0xe: {  	[smem:$0x3FAE] =	sst s6  }
0xf: {  	[smem:$0x3FAF] =	sst s7  }
0x10: {  	[smem:$0x3FB0] =	sst s8  }
0x11: {  	[smem:$0x3FB1] =	sst s9;
	s0 =	simm.s32 @!p0 $0x0  }
0x12: {  	s1 =	sld [smem:$0x3F97];
	s0 =	simm.s32 @p0 $0x1  }
0x13: {  	[smem:$0x3FB2] =	sst s0;
	s0 =	simm.s32 @!p1 $0x0  }
0x14: {  	s2 =	sld [smem:$0x3F96];
	s0 =	simm.s32 @p1 $0x1  }
0x15: {  	[smem:$0x3FB3] =	sst s0;
	s0 =	simm.s32 @!p2 $0x0  }
0x16: {  	s3 =	sld [smem:$0x3FDB];
	s0 =	simm.s32 @p2 $0x1  }
0x17: {  	s4 =	simm.s32 $0x1BF5;
	[smem:$0x3FB5] =	sst s0  }
0x18: {  	s0 =	sld [smem:$0x3F98];
	_ =	swait.ge [sflag:s4], $0x0  }
0x19: {  	s7 =	sld [smem:$0x3F99]  }
0x1a: {  	s8 =	sadd.s32 $0xFFFFE003, lr  }
0x1b: {  	s9 =	sadd.s32 $0xFFFFFEF7, lr;
	s5 =	simm.s32 $0xFFFFFFFF;
	p2 =	slt.u32 s8, $0xFFFFF086  }
0x1c: {  	p1 =	slt.u32 s9, $0xF7A;
	s5 =	simm.s32 @!p2 $0x0  }
0x1d: {  	s5 =	simm.s32 @p1 $0x1;
	p0 =	seq.s32 s7, s2  }
0x1e: {  	s7 =	smul.u32 @!p0 $0xF7A, s2;
	p2 =	seq.s32 @!p0 s5, $0x0  }
0x1f: {  	s9 =	smul.u32 $0xF7A, s1;
	s8 =	simm.s32 @!p0 $0x1BF5;
	p2 =	por !p2, p0  }
0x20: {  	[sflag:s8] =	ssyncset.s32 @!p0 $0xFFFFF086;
	s6 =	sadd.s32 @!p0 s3, s7;
	s7 =	simm.s32 @!p0 $0x108  }
0x21: {  	s3 =	sadd.s32 s3, s9;
	s6 =	sadd.s32 @!p0 $0x88, s6;
	s7 =	simm.s32 @p2 $0x1082  }
0x22: {  	[simem:s7], [sflag:s8] =	dma.local @!p0 [hbm:s6], $0xF7A  }
0x23: {  	s9 =	sor.u32 $0xD0000000, s2;
	s6 =	simm.s32 $0x108;
	_ =	swait.ge @!p0 [sflag:s8], $0x0  }
0x24: {  	s3 =	sadd.s32 $0x88, s3;
	s6 =	simm.s32 @!p1 $0x1082;
	[sflag:s4] =	ssyncset.s32 $0xFFFFF086  }
0x25: {  	[simem:s6], [sflag:s4] =	dma.local [hbm:s3], $0xF7A  }
0x26: {  	[smem:$0x3F99] =	sst s1;
	(tag) =	ssettag s2;
	_ =	strace s9  }
0x27: {  	s1 =	sld [smem:$0x3FA9]  }
0x28: {  	s2 =	sld [smem:$0x3FAA]  }
0x29: {  	s4 =	sld [smem:$0x3FAC]  }
0x2a: {  	p0 =	seq.s32 s5, $0x0;
	s5 =	sld [smem:$0x3FAD]  }
0x2b: {  	s6 =	sld [smem:$0x3FAE]  }
0x2c: {  	s7 =	sld [smem:$0x3FAF]  }
0x2d: {  	s3 =	simm.s32 $0x108;
	s8 =	sld [smem:$0x3FB0]  }
0x2e: {  	s3 =	simm.s32 @!p0 $0x1082;
	s9 =	sld [smem:$0x3FB1]  }
0x2f: {  	lr =	sadd.s32 s0, s3;
	s0 =	sld [smem:$0x3FA8]  }
0x30: {  	s3 =	sld [smem:$0x3FAB]  }
0x31: {  	[smem:$0x3FB4] =	sst s10  }
0x32: {  	s10 =	sld [smem:$0x3FB2];
	_ =	sdelay $0x3  }
0x33: {  	p0 =	seq.s32 s10, $0x1;
	s10 =	sld [smem:$0x3FB4];
	_ =	sdelay $0x3  }
0x34: {  	[smem:$0x3FB4] =	sst s10  }
0x35: {  	s10 =	sld [smem:$0x3FB3];
	_ =	sdelay $0x3  }
0x36: {  	p1 =	seq.s32 s10, $0x1;
	s10 =	sld [smem:$0x3FB4];
	_ =	sdelay $0x3  }
0x37: {  	[smem:$0x3FB4] =	sst s10  }
0x38: {  	s10 =	sld [smem:$0x3FB5]  }
0x39: {  	_ = 	snop;
	(pc) =	sbr.ind lr, $3  }
0x3a: {  	_ = 	snop  }
0x3b: {  	_ = 	snop  }
0x3c: {  	p2 =	seq.s32 s10, $0x1;
	s10 =	sld [smem:$0x3FB4]  }
0x3d: {  	_ =	shalt  }
0x3e: {  	_ =	shalt  }
0x3f: {  	_ =	shalt  }
0x40: {  	_ =	shalt  }
0x41: {  	_ =	shalt  }
0x42: {  	_ =	shalt  }
0x43: {  	_ =	shalt  }
0x44: {  	_ =	shalt  }
0x45: {  	_ =	shalt  }
0x46: {  	_ =	shalt  }
0x47: {  	_ =	shalt  }
0x48: {  	_ =	shalt  }
0x49: {  	_ =	shalt  }
0x4a: {  	_ =	shalt  }
0x4b: {  	_ =	shalt  }
0x4c: {  	_ =	shalt  }
0x4d: {  	_ =	shalt  }
0x4e: {  	_ =	shalt  }
0x4f: {  	_ =	shalt  }
0x50: {  	_ =	shalt  }
0x51: {  	_ =	shalt  }
0x52: {  	_ =	shalt  }
0x53: {  	_ =	shalt  }
0x54: {  	_ =	shalt  }
0x55: {  	_ =	shalt  }
0x56: {  	_ =	shalt  }
0x57: {  	_ =	shalt  }
0x58: {  	_ =	shalt  }
0x59: {  	_ =	shalt  }
0x5a: {  	_ =	shalt  }
0x5b: {  	_ =	shalt  }
0x5c: {  	_ =	shalt  }
0x5d: {  	_ =	shalt  }
0x5e: {  	_ =	shalt  }
0x5f: {  	_ =	shalt  }
0x60: {  	_ =	shalt  }
0x61: {  	_ =	shalt  }
0x62: {  	_ =	shalt  }
0x63: {  	_ =	shalt  }
0x64: {  	_ =	shalt  }
0x65: {  	_ =	shalt  }
0x66: {  	_ =	shalt  }
0x67: {  	_ =	shalt  }
0x68: {  	_ =	shalt  }
0x69: {  	_ =	shalt  }
0x6a: {  	_ =	shalt  }
0x6b: {  	_ =	shalt  }
0x6c: {  	_ =	shalt  }
0x6d: {  	_ =	shalt  }
0x6e: {  	_ =	shalt  }
0x6f: {  	_ =	shalt  }
0x70: {  	_ =	shalt  }
0x71: {  	_ =	shalt  }
0x72: {  	_ =	shalt  }
0x73: {  	_ =	shalt  }
0x74: {  	_ =	shalt  }
0x75: {  	_ =	shalt  }
0x76: {  	_ =	shalt  }
0x77: {  	_ =	shalt  }
0x78: {  	_ =	shalt  }
0x79: {  	_ =	shalt  }
0x7a: {  	_ =	shalt  }
0x7b: {  	_ =	shalt  }
0x7c: {  	_ =	shalt  }
0x7d: {  	_ =	shalt  }
0x7e: {  	_ =	shalt  }
0x7f: {  	_ =	shalt  }
0x80: {  	_ =	shalt  }
0x81: {  	_ =	shalt  }
0x82: {  	_ =	shalt  }
0x83: {  	_ =	shalt  }
0x84: {  	_ =	shalt  }
0x85: {  	_ =	shalt  }
0x86: {  	_ =	shalt  }
0x87: {  	_ =	shalt  }
.Lfunc_end0:
.L_simem_size_0:
called_computation.1_lowered:
.L_overlay_start_0:
0x88: {  	s2 =	sld [smem:$0x3FD9]  }
0x89: {  	s3 =	sld [smem:$0x3FFE];
	_ =	sdelay $0x1  }
0x8a: {  	s1 =	srdreg.scid  }
0x8b: {  	s0 =	sand.u32 $0x1, s1  }
0x8c: {  	s17 =	sshll.u32 s0, $0xA;
	s2 =	sadd.s32 s3, s2  }
0x8d: {  	s2 =	sadd.s32 s2, s17  }
0x8e: {  	[smem:$0x3FC0] =	sst s2  }
0x8f: {  	_ = 	snop  }
0x90: {  	s2 =	sld [smem:$0x3FD0];
	(tm) =	ssettm $0x1  }
0x91: {  	s18 =	sld [smem:$0x3FFB];
	_ =	sdelay $0x3  }
0x92: {  	_ =	strace s18  }
0x93: {  	s3 =	sld [smem:$0x3FFC];
	_ =	sdelay $0x3  }
0x94: {  	_ =	strace s3  }
0x95: {  	s3 =	sld [smem:$0x3FFD];
	_ =	sdelay $0x3  }
0x96: {  	_ =	strace s3  }
0x97: {  	_ =	strace $0x8FFFFFFF  }
0x98: {  	s19 =	sld [smem:$0x3FDB];
	_ =	sdelay $0x1  }
0x99: {  	s4 =	simm.s32 $_scs_section_size  }
0x9a: {  	s5 =	simm.s32 $_size__tile_overlayer_lowered;
	s6 =	simm.s32 $_tile_overlayer_lowered  }
0x9b: {  	s22 =	simm.s32 $0x1BFF;
	s21 =	sshll.u32 s6, $0x1;
	s3 =	sadd.s32 s4, s19  }
0x9c: {  	s7 =	simm.s32 $0x0;
	s20 =	sshll.u32 s5, $0x1;
	s5 =	sadd.s32 s21, s3  }
0x9d: {  	[timem:s7], [sflag:s22] =	dma.local [hbm:s5], s20  }
0x9e: {  	_ =	swait.ge [sflag:s22], s20  }
0x9f: {  	s4 =	ssub.s32 $0x0, s20;
	[sflag:s22] =	ssyncset.done $0x0  }
0xa0: {  	[sflag:s22] =	ssyncadd.s32 s4;
	_ =	sdelay $0x1  }
0xa1: {  	s23 =	simm.s32 $0x1B8B  }
0xa2: {  	_ =	swait.ge [sflag:s23], $0x1  }
0xa3: {  	[sflag:s23] =	ssyncset.done $0x0  }
0xa4: {  	s25 =	simm.s32 $0x1B8E;
	s24 =	sld [smem:$0x3FFE];
	[sflag:s23] =	ssyncadd.s32 $0xFFFFFFFF  }
0xa5: {  	s26 =	simm.s32 $execute0_lowered;
	[smem:$0x3FD2] =	sst s25  }
0xa6: {  	s5 =	sshll.u32 s26, $0x1;
	_ =	strace $0x8000004C;
	[dreg:$0x1] =	wrdreg $0xFFFFFFFF  }
0xa7: {  	s28 =	simm.s32 $_size_execute0_lowered;
	s3 =	sadd.s32 s3, s5;
	[dreg:$0x0] =	wrdreg $0x0  }
0xa8: {  	s5 =	sshll.u32 s28, $0x1;
	[dreg:$0x2] =	wrdreg s3  }
0xa9: {  	[dreg:$0x3] =	wrdreg s5  }
0xaa: {  	[dreg:$0x4] =	wrdreg $0xC0  }
0xab: {  	_ =	task [dreg:s7], $0x5FFFF  }
0xac: {  	[dreg:$0x1] =	wrdreg $0xFFFFFFFF  }
0xad: {  	[dreg:$0x0] =	wrdreg $0x60  }
0xae: {  	[dreg:$0x2] =	wrdreg s24  }
0xaf: {  	[dreg:$0x3] =	wrdreg s2  }
0xb0: {  	[dreg:$0x4] =	wrdreg $0x9A000  }
0xb1: {  	[dreg:$0x5] =	wrdreg $0x9  }
0xb2: {  	_ =	task.clear_ibuf [dreg:s7], $0x6FFFF;
	_ =	strace $0x9000004C  }
0xb3: {  	s29 =	simm.s32 $0x9;
	_ =	strace $0x80000051  }
0xb4: {  	_ =	swait.ge [sflag:s29], $0x1  }
0xb5: {  	[sflag:s29] =	ssyncadd.s32 $0xFFFFFFFF  }
0xb6: {  	_ =	strace $0x90000051  }
0xb7: {  	_ =	sfence  }
0xb8: {  	s30 =	sld [smem:$0x0];
	_ =	sdelay $0x2  }
0xb9: {  	s31 =	sshll.u32 s1, $0xD;
	s1 =	sshrl.u32 s1, $0x2  }
0xba: {  	s3 =	sand.u32 $0x4000, s31;
	s1 =	sadd.s32 s1, s30  }
0xbb: {  	s0 =	sor.u32 s3, s0;
	s1 =	sshll.u32 s1, $0x11  }
0xbc: {  	s0 =	sor.u32 s1, s0  }
0xbd: {  	s0 =	sadd.s32 $0x8F2B, s0  }
0xbe: {  	[sflag:s0] =	ssyncadd.remote.s32 $0x1  }
0xbf: {  	_ =	sfence.sel $0xFFFF  }
0xc0: {  	[dreg:$0x0] =	wrdreg $0xFFFFFFFF;
	(pc) =	sbr.abs _section_cstart, $3  }
0xc1: {  	[dreg:$0x1] =	wrdreg $0xFFFFFFFF  }
0xc2: {  	_ =	task.clear_ibuf [dreg:s7], $0x2FFFF;
	_ =	strace $0x9FFFFFFF  }
0xc3: {  	(tm) =	ssettm $0x7FFFFFFF  }
tec
execute0_lowered:
.L_overlay_start_1:
0x0: {  	(tag) =	ssettag $0x1  }
0x1: {  	s0 =	rddreg [dreg:$0x0]  }
0x2: {  	s1 =	rddreg [dreg:$0x1]  }
0x3: {  	s2 =	rddreg [dreg:$0x2];
	s9 =	stileid.u32;
	s3 =	simm.s32 $0x0  }
0x4: {  	s4 =	srdreg.scid;
	s14 =	simm.s32 $0xA00;
	s15 =	simm.s32 $0x3  }
0x5: {  	s16 =	simm.s32 $0x500;
	s17 =	simm.s32 $0x80;
	s18 =	simm.s32 $0x5200  }
0x6: {  	s19 =	simm.s32 $0x1;
	s28 =	simm.s32 $0x680;
	s5 =	smul.u32 $0x500, s9  }
0x7: {  	s29 =	simm.s32 $0x280;
	s6 =	sand.u32 $0x1, s4;
	s4 =	smul.u32 $0x4B00, s9  }
0x8: {  	s30 =	simm.s32 $0x700;
	s31 =	simm.s32 $0x300;
	s8 =	smul.u32 $0x15F90, s9  }
0x9: {  	[smem:$0x7FF] =	sst s3;
	s9 =	smul.u32 $0x57E40, s9;
	p0 =	seq.s32 s6, $0x0  }
0xa: {  	s7 =	smul.u32 $0x15F900, s6;
	_ =	strace $0x8000004D;
	s11 =	ssub.s32 $0x2, s6  }
0xb: {  	s5 =	sadd.s32 $0x4B000, s5;
	s12 =	sshrl.u32 s11, $0x1;
	s9 =	sshrl.u32 s9, $0x2  }
0xc: {  	s22 =	sadd.s32 s8, s2;
	s5 =	smov.u32 @p0 s4;
	s4 =	sadd.s32 $0x1000, s0  }
0xd: {  	s7 =	sadd.s32 s8, s7;
	s20 =	ssub.s32 s11, s12;
	s9 =	sadd.s32 s9, s2  }
0xe: {  	p0 =	sne.s32 s6, $0x0;
	s6 =	simm.s32 $0x800;
	s8 =	simm.s32 $0x880  }
0xf: {  	s11 =	simm.s32 $0x980;
	s12 =	simm.s32 $0x0;
	s5 =	sshrl.u32 s5, $0x3  }
0x10: {  	s7 =	sshrl.u32 s7, $0x3;
	s21 =	sadd.s32 $0x12000, s9;
	[dreg:$0x4] =	wrdreg s9  }
0x11: {  	s23 =	sadd.s32 $0x4800, s9;
	s24 =	sadd.s32 $0x9000, s9;
	[dreg:$0x5] =	wrdreg s21  }
0x12: {  	s25 =	sadd.s32 $0xD800, s9;
	s9 =	simm.s32 $0x480;
	[dreg:$0x8] =	wrdreg s23  }
0x13: {  	s10 =	sadd.s32 s5, s0;
	s0 =	sadd.s32 s7, s0;
	[dreg:$0x9] =	wrdreg s24  }
0x14: {  	s7 =	smax.u32 s20, $0x1;
	[dreg:$0xa] =	wrdreg s25;
	s1 =	sadd.s32 s5, s1  }
0x15: {  	s21 =	simm.s32 $0x2;
	s24 =	simm.s32 $0x600;
	[dreg:$0x7] =	wrdreg s7  }
0x16: {  	s0 =	sadd.s32 $0x37000, s0;
	s26 =	sadd.s32 $0x2D000, s10;
	[dreg:$0xc] =	wrdreg s1  }
0x17: {  	s1 =	simm.s32 $0x380;
	s7 =	simm.s32 $0x400;
	[dreg:$0x6] =	wrdreg s0  }
0x18: {  	s10 =	simm.s32 $0x900;
	[dreg:$0xb] =	wrdreg s26;
	s0 =	sshrl.u32 s22, $0x3  }
0x19: {  	v0 =	vimm.f32 $0.0e+00;
	s26 =	simm.s32 $0x200;
	[dreg:$0xd] =	wrdreg s0;
	s0 =	simm.s32 $0x780  }
.LBB2_1:
0x1a: {  	s5 =	smul.u32 $0xE38F, s3;
	_ =	sdelay $0x1  }
0x1b: {  	[dreg:$0xe] =	wrdreg s12;
	s25 =	simm.s32 $0x0;
	s13 =	sshrl.u32 s5, $0x13  }
0x1c: {  	_ =	strace $0x8000004E;
	s5 =	simm.s32 $0x1;
	s12 =	smul.u32 $0x9, s13  }
.LBB2_2:
0x1d: {  	s20 =	smul.u32 $0xE38F, s5  }
0x1e: {  	s22 =	smov.u32 s5;
	s13 =	smul.u32 $0x240, s13;
	p1 =	sne.s32 s5, $0x47F  }
.Ltmp0:
0x1f: {  	s12 =	ssub.s32 s25, s12;
	(pc) =	sbr.rel @p1 .LBB2_2-.Ltmp0, $4  }
0x20: {  	s5 =	sadd.s32 $0x1, s5;
	s12 =	sand.u32 $0xFFFF, s12  }
0x21: {  	s25 =	smov.u32 s22;
	s23 =	sshrl.u32 s13, $0x2;
	s12 =	sshll.u32 s12, $0x4  }
0x22: {  	s13 =	sshrl.u32 s20, $0x13;
	s20 =	sadd.s32 s12, s23  }
0x23: {  	s12 =	smul.u32 $0x9, s13;
	[tilespmem:s20+$0xA00] =	vst v0  }
0x24: {  	_ = 	snop  }
0x25: {  	s5 =	ssub.s32 s25, s12;
	s25 =	smul.u32 $0x240, s13  }
0x26: {  	s5 =	sand.u32 $0xFFFF, s5  }
0x27: {  	s12 =	sshrl.u32 s25, $0x2;
	s5 =	sshll.u32 s5, $0x4  }
0x28: {  	s5 =	sadd.s32 s5, s12  }
0x29: {  	s13 =	rddreg [dreg:$0x4];
	[tilespmem:s5+$0xA00] =	vst v0  }
0x2a: {  	[spmem:s13] =	stream.linear.scatter [tilespmem:s14], [sflag:$0x3], $0x4800, $0x200038;
	[tilespmem:$0x1F9D8] =	vst v63  }
0x2b: {  	_ =	swait.ge [sflag:s15], $0x4800  }
0x2c: {  	[sflag:s15] =	ssyncset.done $0x0  }
0x2d: {  	s20 =	rddreg [dreg:$0x8];
	[sflag:s15] =	ssyncadd.s32 $0xFFFFB800  }
0x2e: {  	[spmem:s20] =	stream.linear.scatter [tilespmem:s14], [sflag:$0x3], $0x4800, $0x200038;
	[tilespmem:$0x1F9D8] =	vst v63  }
0x2f: {  	_ =	swait.ge [sflag:s15], $0x4800  }
0x30: {  	[sflag:s15] =	ssyncset.done $0x0  }
0x31: {  	s22 =	rddreg [dreg:$0x9];
	[sflag:s15] =	ssyncadd.s32 $0xFFFFB800  }
0x32: {  	[spmem:s22] =	stream.linear.scatter [tilespmem:s14], [sflag:$0x3], $0x4800, $0x200038;
	[tilespmem:$0x1F9D8] =	vst v63  }
0x33: {  	_ =	swait.ge [sflag:s15], $0x4800  }
0x34: {  	[sflag:s15] =	ssyncset.done $0x0  }
0x35: {  	s23 =	rddreg [dreg:$0xa];
	[sflag:s15] =	ssyncadd.s32 $0xFFFFB800  }
0x36: {  	[spmem:s23] =	stream.linear.scatter [tilespmem:s14], [sflag:$0x3], $0x4800, $0x200038;
	[tilespmem:$0x1F9D8] =	vst v63  }
0x37: {  	_ =	swait.ge [sflag:s15], $0x4800  }
0x38: {  	[sflag:s15] =	ssyncset.done $0x0  }
0x39: {  	s25 =	rddreg [dreg:$0x5];
	[sflag:s15] =	ssyncadd.s32 $0xFFFFB800  }
0x3a: {  	[spmem:s25] =	stream.linear.scatter [tilespmem:s14], [sflag:$0x3], $0x3F90, $0x200038;
	[tilespmem:$0x1F9D8] =	vst v63  }
0x3b: {  	_ =	swait.ge [sflag:s15], $0x3F90  }
0x3c: {  	[sflag:s15] =	ssyncset.done $0x0  }
0x3d: {  	[sflag:s15] =	ssyncadd.s32 $0xFFFFC070  }
0x3e: {  	[bflag:$0x0] =	sbarrier.arrive $0xFFFF  }
0x3f: {  	_ =	strace $0x9000004E  }
0x40: {  	_ =	strace $0x8000004F  }
0x41: {  	s12 =	simm.s32 $0x100;
	s5 =	simm.s32 $0x0;
	s13 =	rddreg [dreg:$0xc]  }
0x42: {  	s20 =	simm.s32 $0x580;
	s22 =	simm.s32 $0x180;
	s25 =	rddreg [dreg:$0xb]  }
.LBB2_4:
0x43: {  	[tilespmem:s3], [sflag:$0x3] =	stream.linear.gather [hbm4b:s13+s3], $0x500, $0x200038;
	[tilespmem:$0x1F9D8] =	vst v63  }
0x44: {  	_ =	swait.ge [sflag:s15], $0x500  }
0x45: {  	[sflag:s15] =	ssyncset.done $0x0  }
0x46: {  	[sflag:s15] =	ssyncadd.s32 $0xFFFFFB00  }
0x47: {  	[tilespmem:s16], [sflag:$0x3] =	stream.linear.gather [hbm4b:s25+s3], $0x500, $0x200038;
	[tilespmem:$0x1F9D8] =	vst v63  }
0x48: {  	_ =	swait.ge [sflag:s15], $0x500  }
0x49: {  	[sflag:s15] =	ssyncset.done $0x0  }
0x4a: {  	[sflag:s15] =	ssyncadd.s32 $0xFFFFFB00  }
0x4b: {  	[tilespmem:s14], [sflag:$0x1] =	stream.indirect.gather [hbm4b:s4+s17], $0x90, s3, s17, $0x2000b8;
	[tilespmem:$0x1F9D8] =	vst v63  }
0x4c: {  	_ = 	snop  }
0x4d: {  	[tilespmem:s18], [sflag:$0x2] =	stream.indirect.gather [hbm4b:s4+s17], $0x90, s17, s17, $0x2000b8;
	[tilespmem:$0x1F9D8] =	vst v63  }
0x4e: {  	_ =	swait.ge [sflag:s19], $0x4800  }
0x4f: {  	[sflag:s19] =	ssyncset.done $0x0  }
0x50: {  	[sflag:s19] =	ssyncadd.s32 $0xFFFFB800  }
0x51: {  	[spmem:s2] =	stream.indirect.scatter.add.f32 [tilespmem:s14], [sflag:$0x3], $0x90, s16, s17, $0x2000b8;
	[tilespmem:$0x1F9D8] =	vst v63  }
0x52: {  	_ =	swait.ge [sflag:s15], $0x4800  }
0x53: {  	[sflag:s15] =	ssyncset.done $0x0  }
0x54: {  	[sflag:s15] =	ssyncadd.s32 $0xFFFFB800  }
0x55: {  	[tilespmem:s14], [sflag:$0x1] =	stream.indirect.gather [hbm4b:s4+s17], $0x90, s12, s17, $0x2000b8;
	[tilespmem:$0x1F9D8] =	vst v63  }
0x56: {  	_ =	swait.ge [sflag:s21], $0x4800  }
0x57: {  	[sflag:s21] =	ssyncset.done $0x0  }
0x58: {  	[sflag:s21] =	ssyncadd.s32 $0xFFFFB800  }
0x59: {  	[spmem:s2] =	stream.indirect.scatter.add.f32 [tilespmem:s18], [sflag:$0x3], $0x90, s20, s17, $0x2000b8;
	[tilespmem:$0x1F9D8] =	vst v63  }
0x5a: {  	_ =	swait.ge [sflag:s15], $0x4800  }
0x5b: {  	[sflag:s15] =	ssyncset.done $0x0  }
0x5c: {  	[sflag:s15] =	ssyncadd.s32 $0xFFFFB800  }
0x5d: {  	[tilespmem:s18], [sflag:$0x2] =	stream.indirect.gather [hbm4b:s4+s17], $0x90, s22, s17, $0x2000b8;
	[tilespmem:$0x1F9D8] =	vst v63  }
0x5e: {  	_ =	swait.ge [sflag:s19], $0x4800  }
0x5f: {  	[sflag:s19] =	ssyncset.done $0x0  }
0x60: {  	[sflag:s19] =	ssyncadd.s32 $0xFFFFB800  }
0x61: {  	[spmem:s2] =	stream.indirect.scatter.add.f32 [tilespmem:s14], [sflag:$0x3], $0x90, s24, s17, $0x2000b8;
	[tilespmem:$0x1F9D8] =	vst v63  }
0x62: {  	_ =	swait.ge [sflag:s15], $0x4800  }
0x63: {  	[sflag:s15] =	ssyncset.done $0x0  }
0x64: {  	[sflag:s15] =	ssyncadd.s32 $0xFFFFB800  }
0x65: {  	[tilespmem:s14], [sflag:$0x1] =	stream.indirect.gather [hbm4b:s4+s17], $0x90, s26, s17, $0x2000b8;
	[tilespmem:$0x1F9D8] =	vst v63  }
0x66: {  	_ =	swait.ge [sflag:s21], $0x4800  }
0x67: {  	[sflag:s21] =	ssyncset.done $0x0  }
0x68: {  	[sflag:s21] =	ssyncadd.s32 $0xFFFFB800  }
0x69: {  	[spmem:s2] =	stream.indirect.scatter.add.f32 [tilespmem:s18], [sflag:$0x3], $0x90, s28, s17, $0x2000b8;
	[tilespmem:$0x1F9D8] =	vst v63  }
0x6a: {  	_ =	swait.ge [sflag:s15], $0x4800  }
0x6b: {  	[sflag:s15] =	ssyncset.done $0x0  }
0x6c: {  	[sflag:s15] =	ssyncadd.s32 $0xFFFFB800  }
0x6d: {  	[tilespmem:s18], [sflag:$0x2] =	stream.indirect.gather [hbm4b:s4+s17], $0x90, s29, s17, $0x2000b8;
	[tilespmem:$0x1F9D8] =	vst v63  }
0x6e: {  	_ =	swait.ge [sflag:s19], $0x4800  }
0x6f: {  	[sflag:s19] =	ssyncset.done $0x0  }
0x70: {  	[sflag:s19] =	ssyncadd.s32 $0xFFFFB800  }
0x71: {  	[spmem:s2] =	stream.indirect.scatter.add.f32 [tilespmem:s14], [sflag:$0x3], $0x90, s30, s17, $0x2000b8;
	[tilespmem:$0x1F9D8] =	vst v63  }
0x72: {  	_ =	swait.ge [sflag:s15], $0x4800  }
0x73: {  	[sflag:s15] =	ssyncset.done $0x0  }
0x74: {  	[sflag:s15] =	ssyncadd.s32 $0xFFFFB800  }
0x75: {  	[tilespmem:s14], [sflag:$0x1] =	stream.indirect.gather [hbm4b:s4+s17], $0x90, s31, s17, $0x2000b8;
	[tilespmem:$0x1F9D8] =	vst v63  }
0x76: {  	_ =	swait.ge [sflag:s21], $0x4800  }
0x77: {  	[sflag:s21] =	ssyncset.done $0x0  }
0x78: {  	[sflag:s21] =	ssyncadd.s32 $0xFFFFB800  }
0x79: {  	[spmem:s2] =	stream.indirect.scatter.add.f32 [tilespmem:s18], [sflag:$0x3], $0x90, s0, s17, $0x2000b8;
	[tilespmem:$0x1F9D8] =	vst v63  }
0x7a: {  	_ =	swait.ge [sflag:s15], $0x4800  }
0x7b: {  	[sflag:s15] =	ssyncset.done $0x0  }
0x7c: {  	[sflag:s15] =	ssyncadd.s32 $0xFFFFB800  }
0x7d: {  	[tilespmem:s18], [sflag:$0x2] =	stream.indirect.gather [hbm4b:s4+s17], $0x90, s1, s17, $0x2000b8;
	[tilespmem:$0x1F9D8] =	vst v63  }
0x7e: {  	_ =	swait.ge [sflag:s19], $0x4800  }
0x7f: {  	[sflag:s19] =	ssyncset.done $0x0  }
0x80: {  	[sflag:s19] =	ssyncadd.s32 $0xFFFFB800  }
0x81: {  	[spmem:s2] =	stream.indirect.scatter.add.f32 [tilespmem:s14], [sflag:$0x3], $0x90, s6, s17, $0x2000b8;
	[tilespmem:$0x1F9D8] =	vst v63  }
0x82: {  	_ =	swait.ge [sflag:s15], $0x4800  }
0x83: {  	[sflag:s15] =	ssyncset.done $0x0  }
0x84: {  	[sflag:s15] =	ssyncadd.s32 $0xFFFFB800  }
0x85: {  	[tilespmem:s14], [sflag:$0x1] =	stream.indirect.gather [hbm4b:s4+s17], $0x90, s7, s17, $0x2000b8;
	[tilespmem:$0x1F9D8] =	vst v63  }
0x86: {  	_ =	swait.ge [sflag:s21], $0x4800  }
0x87: {  	[sflag:s21] =	ssyncset.done $0x0  }
0x88: {  	[sflag:s21] =	ssyncadd.s32 $0xFFFFB800  }
0x89: {  	[spmem:s2] =	stream.indirect.scatter.add.f32 [tilespmem:s18], [sflag:$0x3], $0x90, s8, s17, $0x2000b8;
	[tilespmem:$0x1F9D8] =	vst v63  }
0x8a: {  	_ =	swait.ge [sflag:s15], $0x4800  }
0x8b: {  	[sflag:s15] =	ssyncset.done $0x0  }
0x8c: {  	[sflag:s15] =	ssyncadd.s32 $0xFFFFB800  }
0x8d: {  	[tilespmem:s18], [sflag:$0x2] =	stream.indirect.gather [hbm4b:s4+s17], $0x90, s9, s17, $0x2000b8;
	[tilespmem:$0x1F9D8] =	vst v63  }
0x8e: {  	_ =	swait.ge [sflag:s19], $0x4800  }
0x8f: {  	[sflag:s19] =	ssyncset.done $0x0  }
0x90: {  	[sflag:s19] =	ssyncadd.s32 $0xFFFFB800  }
0x91: {  	[spmem:s2] =	stream.indirect.scatter.add.f32 [tilespmem:s14], [sflag:$0x3], $0x90, s10, s17, $0x2000b8;
	[tilespmem:$0x1F9D8] =	vst v63  }
0x92: {  	_ =	swait.ge [sflag:s15], $0x4800  }
0x93: {  	[sflag:s15] =	ssyncset.done $0x0  }
0x94: {  	[sflag:s15] =	ssyncadd.s32 $0xFFFFB800  }
0x95: {  	p1 =	slt.u32 @!p0 s5, $0xE;
	_ =	swait.ge [sflag:s21], $0x4800  }
0x96: {  	p1 =	por p0, !p1;
	[sflag:s21] =	ssyncset.done $0x0  }
.Ltmp1:
0x97: {  	[sflag:s21] =	ssyncadd.s32 $0xFFFFB800;
	(pc) =	sbr.rel @!p1 .LBB2_4-.Ltmp1, $4  }
0x98: {  	[spmem:s2] =	stream.indirect.scatter.add.f32 [tilespmem:s18], [sflag:$0x3], $0x90, s11, s17, $0x2000b8;
	[tilespmem:$0x1F9D8] =	vst v63  }
0x99: {  	_ =	swait.ge [sflag:s15], $0x4800  }
0x9a: {  	s5 =	sadd.s32 $0x1, s5;
	[sflag:s15] =	ssyncset.done $0x0  }
0x9b: {  	s13 =	sadd.s32 $0xA0, s13;
	s25 =	sadd.s32 $0xA0, s25;
	[sflag:s15] =	ssyncadd.s32 $0xFFFFB800  }
0x9c: {  	[bflag:$0x0] =	sbarrier.arrive $0xFFFF  }
0x9d: {  	_ =	strace $0x9000004F  }
0x9e: {  	s5 =	stileid.u32;
	_ =	strace $0x80000050  }
0x9f: {  	s5 =	sshll.u32 s5, $0x6;
	s12 =	rddreg [dreg:$0x6]  }
0xa0: {  	s5 =	sor.u32 $0x1C03, s5;
	s13 =	rddreg [dreg:$0xd]  }
0xa1: {  	[hbm:s12], [sflag:s5] =	dma.local [spmem:s13], $0x2BF2  }
0xa2: {  	_ =	swait.ge [sflag:s15], $0x2BF2  }
0xa3: {  	s23 =	rddreg [dreg:$0xe]  }
0xa4: {  	s25 =	rddreg [dreg:$0x7];
	s12 =	sadd.s32 $0x1, s23  }
0xa5: {  	p1 =	sne.s32 s12, s25  }
.Ltmp2:
0xa6: {  	_ = 	snop;
	(pc) =	sbr.rel @p1 .LBB2_1-.Ltmp2, $4  }
0xa7: {  	_ = 	snop  }
0xa8: {  	[sflag:s15] =	ssyncset.done $0x0  }
0xa9: {  	[sflag:s15] =	ssyncadd.s32 $0xFFFFD40E  }
0xaa: {  	_ =	strace $0x90000050  }
0xab: {  	_ =	sfence.sel $0x180000  }
0xac: {  	[bflag:$0x0] =	sbarrier.arrive $0xFFFF  }
0xad: {  	_ =	strace $0x9000004D  }
0xae: {  	s0 =	stileid.u32;
	[bflag:$0x2] =	sbarrier.arrive $0xFFFF  }
0xaf: {  	p0 =	sne.s32 s0, $0x0;
	s0 =	rddreg [dreg:$0x3]  }
0xb0: {  	s0 =	sadd.s32 @!p0 $0x100000, s0  }
0xb1: {  	[sflag:s0] =	ssyncadd.tile.s32 @!p0 $0x1;
	_ =	shalt  }
.Lfunc_end2:
_tile_overlayer_lowered:
.L_overlay_start_2:
0xb2: {  	(tag) =	ssettag $0x2  }
0xb3: {  	s0 =	rddreg [dreg:$0x0];
	s2 =	stileid.u32  }
0xb4: {  	s1 =	rddreg [dreg:$0x1];
	p0 =	sne.s32 s2, $0x0  }
0xb5: {  	s3 =	rddreg [dreg:$0x2];
	[bflag:$0x3] =	sbarrier.arrive $0xFFFF;
	s2 =	simm.s32 @!p0 $0x1C03  }
0xb6: {  	[timem:s3], [sflag:s2] =	dma.local @!p0 [hbm:s0], s1  }
0xb7: {  	s0 =	simm.s32 @!p0 $0x3  }
0xb8: {  	_ =	swait.ge @!p0 [sflag:s0], s1  }
0xb9: {  	s1 =	ssub.s32 @!p0 $0x0, s1;
	[sflag:s0] =	ssyncset.done @!p0 $0x0  }
0xba: {  	[sflag:s0] =	ssyncadd.s32 @!p0 s1  }
0xbb: {  	[bflag:$0x3] =	sbarrier.arrive $0xFFFF  }
0xbc: {  	_ =	shalt  }

// kernel: kernel.7.cloned.1.call-start
scs
__scs_entry_jumppad:
0x0: {  	(pc) =	sbr.rel $0x88, $3  }
0x1: {  	(tag) =	ssettag $0x0;
	lr =	simm.s32 $0x1  }
0x2: {  	[smem:$0x3F99] =	sst lr;
	_ =	strace $0xD0000000  }
0x3: {  	_ = 	snop  }
0x4: {  	_ = 	snop  }
0x5: {  	_ = 	snop  }
0x6: {  	_ = 	snop  }
0x7: {  	_ = 	snop  }
__scs_overlays_trampoline_lowered:
0x8: {  	[smem:$0x3FA8] =	sst s0  }
0x9: {  	[smem:$0x3FA9] =	sst s1  }
0xa: {  	[smem:$0x3FAA] =	sst s2  }
0xb: {  	[smem:$0x3FAB] =	sst s3  }
0xc: {  	[smem:$0x3FAC] =	sst s4  }
0xd: {  	[smem:$0x3FAD] =	sst s5  }
0xe: {  	[smem:$0x3FAE] =	sst s6  }
0xf: {  	[smem:$0x3FAF] =	sst s7  }
0x10: {  	[smem:$0x3FB0] =	sst s8  }
0x11: {  	[smem:$0x3FB1] =	sst s9;
	s0 =	simm.s32 @!p0 $0x0  }
0x12: {  	s1 =	sld [smem:$0x3F97];
	s0 =	simm.s32 @p0 $0x1  }
0x13: {  	[smem:$0x3FB2] =	sst s0;
	s0 =	simm.s32 @!p1 $0x0  }
0x14: {  	s2 =	sld [smem:$0x3F96];
	s0 =	simm.s32 @p1 $0x1  }
0x15: {  	[smem:$0x3FB3] =	sst s0;
	s0 =	simm.s32 @!p2 $0x0  }
0x16: {  	s3 =	sld [smem:$0x3FDB];
	s0 =	simm.s32 @p2 $0x1  }
0x17: {  	s4 =	simm.s32 $0x1BF5;
	[smem:$0x3FB5] =	sst s0  }
0x18: {  	s0 =	sld [smem:$0x3F98];
	_ =	swait.ge [sflag:s4], $0x0  }
0x19: {  	s7 =	sld [smem:$0x3F99]  }
0x1a: {  	s8 =	sadd.s32 $0xFFFFE003, lr  }
0x1b: {  	s9 =	sadd.s32 $0xFFFFFEF7, lr;
	s5 =	simm.s32 $0xFFFFFFFF;
	p2 =	slt.u32 s8, $0xFFFFF086  }
0x1c: {  	p1 =	slt.u32 s9, $0xF7A;
	s5 =	simm.s32 @!p2 $0x0  }
0x1d: {  	s5 =	simm.s32 @p1 $0x1;
	p0 =	seq.s32 s7, s2  }
0x1e: {  	s7 =	smul.u32 @!p0 $0xF7A, s2;
	p2 =	seq.s32 @!p0 s5, $0x0  }
0x1f: {  	s9 =	smul.u32 $0xF7A, s1;
	s8 =	simm.s32 @!p0 $0x1BF5;
	p2 =	por !p2, p0  }
0x20: {  	[sflag:s8] =	ssyncset.s32 @!p0 $0xFFFFF086;
	s6 =	sadd.s32 @!p0 s3, s7;
	s7 =	simm.s32 @!p0 $0x108  }
0x21: {  	s3 =	sadd.s32 s3, s9;
	s6 =	sadd.s32 @!p0 $0x88, s6;
	s7 =	simm.s32 @p2 $0x1082  }
0x22: {  	[simem:s7], [sflag:s8] =	dma.local @!p0 [hbm:s6], $0xF7A  }
0x23: {  	s9 =	sor.u32 $0xD0000000, s2;
	s6 =	simm.s32 $0x108;
	_ =	swait.ge @!p0 [sflag:s8], $0x0  }
0x24: {  	s3 =	sadd.s32 $0x88, s3;
	s6 =	simm.s32 @!p1 $0x1082;
	[sflag:s4] =	ssyncset.s32 $0xFFFFF086  }
0x25: {  	[simem:s6], [sflag:s4] =	dma.local [hbm:s3], $0xF7A  }
0x26: {  	[smem:$0x3F99] =	sst s1;
	(tag) =	ssettag s2;
	_ =	strace s9  }
0x27: {  	s1 =	sld [smem:$0x3FA9]  }
0x28: {  	s2 =	sld [smem:$0x3FAA]  }
0x29: {  	s4 =	sld [smem:$0x3FAC]  }
0x2a: {  	p0 =	seq.s32 s5, $0x0;
	s5 =	sld [smem:$0x3FAD]  }
0x2b: {  	s6 =	sld [smem:$0x3FAE]  }
0x2c: {  	s7 =	sld [smem:$0x3FAF]  }
0x2d: {  	s3 =	simm.s32 $0x108;
	s8 =	sld [smem:$0x3FB0]  }
0x2e: {  	s3 =	simm.s32 @!p0 $0x1082;
	s9 =	sld [smem:$0x3FB1]  }
0x2f: {  	lr =	sadd.s32 s0, s3;
	s0 =	sld [smem:$0x3FA8]  }
0x30: {  	s3 =	sld [smem:$0x3FAB]  }
0x31: {  	[smem:$0x3FB4] =	sst s10  }
0x32: {  	s10 =	sld [smem:$0x3FB2];
	_ =	sdelay $0x3  }
0x33: {  	p0 =	seq.s32 s10, $0x1;
	s10 =	sld [smem:$0x3FB4];
	_ =	sdelay $0x3  }
0x34: {  	[smem:$0x3FB4] =	sst s10  }
0x35: {  	s10 =	sld [smem:$0x3FB3];
	_ =	sdelay $0x3  }
0x36: {  	p1 =	seq.s32 s10, $0x1;
	s10 =	sld [smem:$0x3FB4];
	_ =	sdelay $0x3  }
0x37: {  	[smem:$0x3FB4] =	sst s10  }
0x38: {  	s10 =	sld [smem:$0x3FB5]  }
0x39: {  	_ = 	snop;
	(pc) =	sbr.ind lr, $3  }
0x3a: {  	_ = 	snop  }
0x3b: {  	_ = 	snop  }
0x3c: {  	p2 =	seq.s32 s10, $0x1;
	s10 =	sld [smem:$0x3FB4]  }
0x3d: {  	_ =	shalt  }
0x3e: {  	_ =	shalt  }
0x3f: {  	_ =	shalt  }
0x40: {  	_ =	shalt  }
0x41: {  	_ =	shalt  }
0x42: {  	_ =	shalt  }
0x43: {  	_ =	shalt  }
0x44: {  	_ =	shalt  }
0x45: {  	_ =	shalt  }
0x46: {  	_ =	shalt  }
0x47: {  	_ =	shalt  }
0x48: {  	_ =	shalt  }
0x49: {  	_ =	shalt  }
0x4a: {  	_ =	shalt  }
0x4b: {  	_ =	shalt  }
0x4c: {  	_ =	shalt  }
0x4d: {  	_ =	shalt  }
0x4e: {  	_ =	shalt  }
0x4f: {  	_ =	shalt  }
0x50: {  	_ =	shalt  }
0x51: {  	_ =	shalt  }
0x52: {  	_ =	shalt  }
0x53: {  	_ =	shalt  }
0x54: {  	_ =	shalt  }
0x55: {  	_ =	shalt  }
0x56: {  	_ =	shalt  }
0x57: {  	_ =	shalt  }
0x58: {  	_ =	shalt  }
0x59: {  	_ =	shalt  }
0x5a: {  	_ =	shalt  }
0x5b: {  	_ =	shalt  }
0x5c: {  	_ =	shalt  }
0x5d: {  	_ =	shalt  }
0x5e: {  	_ =	shalt  }
0x5f: {  	_ =	shalt  }
0x60: {  	_ =	shalt  }
0x61: {  	_ =	shalt  }
0x62: {  	_ =	shalt  }
0x63: {  	_ =	shalt  }
0x64: {  	_ =	shalt  }
0x65: {  	_ =	shalt  }
0x66: {  	_ =	shalt  }
0x67: {  	_ =	shalt  }
0x68: {  	_ =	shalt  }
0x69: {  	_ =	shalt  }
0x6a: {  	_ =	shalt  }
0x6b: {  	_ =	shalt  }
0x6c: {  	_ =	shalt  }
0x6d: {  	_ =	shalt  }
0x6e: {  	_ =	shalt  }
0x6f: {  	_ =	shalt  }
0x70: {  	_ =	shalt  }
0x71: {  	_ =	shalt  }
0x72: {  	_ =	shalt  }
0x73: {  	_ =	shalt  }
0x74: {  	_ =	shalt  }
0x75: {  	_ =	shalt  }
0x76: {  	_ =	shalt  }
0x77: {  	_ =	shalt  }
0x78: {  	_ =	shalt  }
0x79: {  	_ =	shalt  }
0x7a: {  	_ =	shalt  }
0x7b: {  	_ =	shalt  }
0x7c: {  	_ =	shalt  }
0x7d: {  	_ =	shalt  }
0x7e: {  	_ =	shalt  }
0x7f: {  	_ =	shalt  }
0x80: {  	_ =	shalt  }
0x81: {  	_ =	shalt  }
0x82: {  	_ =	shalt  }
0x83: {  	_ =	shalt  }
0x84: {  	_ =	shalt  }
0x85: {  	_ =	shalt  }
0x86: {  	_ =	shalt  }
0x87: {  	_ =	shalt  }
.Lfunc_end0:
.L_simem_size_0:
called_computation_lowered:
.L_overlay_start_0:
0x88: {  	s2 =	sld [smem:$0x3FD9]  }
0x89: {  	s3 =	sld [smem:$0x3FFE];
	_ =	sdelay $0x1  }
0x8a: {  	s1 =	srdreg.scid  }
0x8b: {  	s0 =	sand.u32 $0x1, s1  }
0x8c: {  	s17 =	sshll.u32 s0, $0xA;
	s2 =	sadd.s32 s3, s2  }
0x8d: {  	s2 =	sadd.s32 s2, s17  }
0x8e: {  	[smem:$0x3FC0] =	sst s2  }
0x8f: {  	_ = 	snop  }
0x90: {  	s2 =	sld [smem:$0x3FD0];
	(tm) =	ssettm $0x1  }
0x91: {  	s18 =	sld [smem:$0x3FFB];
	_ =	sdelay $0x3  }
0x92: {  	_ =	strace s18  }
0x93: {  	s3 =	sld [smem:$0x3FFC];
	_ =	sdelay $0x3  }
0x94: {  	_ =	strace s3  }
0x95: {  	s3 =	sld [smem:$0x3FFD];
	_ =	sdelay $0x3  }
0x96: {  	_ =	strace s3  }
0x97: {  	_ =	strace $0x8FFFFFFF  }
0x98: {  	s19 =	sld [smem:$0x3FDB];
	_ =	sdelay $0x1  }
0x99: {  	s4 =	simm.s32 $_scs_section_size  }
0x9a: {  	s5 =	simm.s32 $_size__tile_overlayer_lowered;
	s6 =	simm.s32 $_tile_overlayer_lowered  }
0x9b: {  	s22 =	simm.s32 $0x1BFF;
	s21 =	sshll.u32 s6, $0x1;
	s3 =	sadd.s32 s4, s19  }
0x9c: {  	s7 =	simm.s32 $0x0;
	s20 =	sshll.u32 s5, $0x1;
	s5 =	sadd.s32 s21, s3  }
0x9d: {  	[timem:s7], [sflag:s22] =	dma.local [hbm:s5], s20  }
0x9e: {  	_ =	swait.ge [sflag:s22], s20  }
0x9f: {  	s4 =	ssub.s32 $0x0, s20;
	[sflag:s22] =	ssyncset.done $0x0  }
0xa0: {  	[sflag:s22] =	ssyncadd.s32 s4;
	_ =	sdelay $0x1  }
0xa1: {  	s23 =	simm.s32 $0x1B8B  }
0xa2: {  	_ =	swait.ge [sflag:s23], $0x1  }
0xa3: {  	[sflag:s23] =	ssyncset.done $0x0  }
0xa4: {  	s25 =	simm.s32 $0x1B8E;
	s24 =	sld [smem:$0x3FFE];
	[sflag:s23] =	ssyncadd.s32 $0xFFFFFFFF  }
0xa5: {  	s26 =	simm.s32 $execute0_lowered;
	[smem:$0x3FD2] =	sst s25  }
0xa6: {  	s5 =	sshll.u32 s26, $0x1;
	_ =	strace $0x80000046;
	[dreg:$0x1] =	wrdreg $0xFFFFFFFF  }
0xa7: {  	s28 =	simm.s32 $_size_execute0_lowered;
	s3 =	sadd.s32 s3, s5;
	[dreg:$0x0] =	wrdreg $0x0  }
0xa8: {  	s5 =	sshll.u32 s28, $0x1;
	[dreg:$0x2] =	wrdreg s3  }
0xa9: {  	[dreg:$0x3] =	wrdreg s5  }
0xaa: {  	[dreg:$0x4] =	wrdreg $0xC0  }
0xab: {  	_ =	task [dreg:s7], $0x5FFFF  }
0xac: {  	[dreg:$0x1] =	wrdreg $0xFFFFFFFF  }
0xad: {  	[dreg:$0x0] =	wrdreg $0x60  }
0xae: {  	[dreg:$0x2] =	wrdreg s24  }
0xaf: {  	[dreg:$0x3] =	wrdreg s2  }
0xb0: {  	[dreg:$0x4] =	wrdreg $0x9A000  }
0xb1: {  	[dreg:$0x5] =	wrdreg $0x9  }
0xb2: {  	_ =	task.clear_ibuf [dreg:s7], $0x6FFFF;
	_ =	strace $0x90000046  }
0xb3: {  	s29 =	simm.s32 $0x9;
	_ =	strace $0x8000004B  }
0xb4: {  	_ =	swait.ge [sflag:s29], $0x1  }
0xb5: {  	[sflag:s29] =	ssyncadd.s32 $0xFFFFFFFF  }
0xb6: {  	_ =	strace $0x9000004B  }
0xb7: {  	_ =	sfence  }
0xb8: {  	s30 =	sld [smem:$0x0];
	_ =	sdelay $0x2  }
0xb9: {  	s31 =	sshll.u32 s1, $0xD;
	s1 =	sshrl.u32 s1, $0x2  }
0xba: {  	s3 =	sand.u32 $0x4000, s31;
	s1 =	sadd.s32 s1, s30  }
0xbb: {  	s0 =	sor.u32 s3, s0;
	s1 =	sshll.u32 s1, $0x11  }
0xbc: {  	s0 =	sor.u32 s1, s0  }
0xbd: {  	s0 =	sadd.s32 $0x8F2B, s0  }
0xbe: {  	[sflag:s0] =	ssyncadd.remote.s32 $0x1  }
0xbf: {  	_ =	sfence.sel $0xFFFF  }
0xc0: {  	[dreg:$0x0] =	wrdreg $0xFFFFFFFF;
	(pc) =	sbr.abs _section_cstart, $3  }
0xc1: {  	[dreg:$0x1] =	wrdreg $0xFFFFFFFF  }
0xc2: {  	_ =	task.clear_ibuf [dreg:s7], $0x2FFFF;
	_ =	strace $0x9FFFFFFF  }
0xc3: {  	(tm) =	ssettm $0x7FFFFFFF  }
tec
execute0_lowered:
.L_overlay_start_1:
0x0: {  	(tag) =	ssettag $0x1  }
0x1: {  	s0 =	rddreg [dreg:$0x0]  }
0x2: {  	s1 =	rddreg [dreg:$0x1]  }
0x3: {  	s2 =	rddreg [dreg:$0x2];
	s9 =	stileid.u32;
	s3 =	simm.s32 $0x0  }
0x4: {  	s4 =	srdreg.scid;
	s14 =	simm.s32 $0xA00;
	s15 =	simm.s32 $0x3  }
0x5: {  	s16 =	simm.s32 $0x500;
	s17 =	simm.s32 $0x80;
	s18 =	simm.s32 $0x5200  }
0x6: {  	s19 =	simm.s32 $0x1;
	s28 =	simm.s32 $0x680;
	s5 =	smul.u32 $0x500, s9  }
0x7: {  	s29 =	simm.s32 $0x280;
	s6 =	sand.u32 $0x1, s4;
	s4 =	smul.u32 $0x4B00, s9  }
0x8: {  	s30 =	simm.s32 $0x700;
	s31 =	simm.s32 $0x300;
	s8 =	smul.u32 $0x15F90, s9  }
0x9: {  	[smem:$0x7FF] =	sst s3;
	s9 =	smul.u32 $0x57E40, s9;
	p0 =	seq.s32 s6, $0x0  }
0xa: {  	s7 =	smul.u32 $0x15F900, s6;
	_ =	strace $0x80000047;
	s11 =	ssub.s32 $0x2, s6  }
0xb: {  	s5 =	sadd.s32 $0x4B000, s5;
	s12 =	sshrl.u32 s11, $0x1;
	s9 =	sshrl.u32 s9, $0x2  }
0xc: {  	s22 =	sadd.s32 s8, s2;
	s5 =	smov.u32 @p0 s4;
	s4 =	sadd.s32 $0x1000, s0  }
0xd: {  	s7 =	sadd.s32 s8, s7;
	s20 =	ssub.s32 s11, s12;
	s9 =	sadd.s32 s9, s2  }
0xe: {  	p0 =	sne.s32 s6, $0x0;
	s6 =	simm.s32 $0x800;
	s8 =	simm.s32 $0x880  }
0xf: {  	s11 =	simm.s32 $0x980;
	s12 =	simm.s32 $0x0;
	s5 =	sshrl.u32 s5, $0x3  }
0x10: {  	s7 =	sshrl.u32 s7, $0x3;
	s21 =	sadd.s32 $0x12000, s9;
	[dreg:$0x4] =	wrdreg s9  }
0x11: {  	s23 =	sadd.s32 $0x4800, s9;
	s24 =	sadd.s32 $0x9000, s9;
	[dreg:$0x5] =	wrdreg s21  }
0x12: {  	s25 =	sadd.s32 $0xD800, s9;
	s9 =	simm.s32 $0x480;
	[dreg:$0x8] =	wrdreg s23  }
0x13: {  	s10 =	sadd.s32 s5, s0;
	s0 =	sadd.s32 s7, s0;
	[dreg:$0x9] =	wrdreg s24  }
0x14: {  	s7 =	smax.u32 s20, $0x1;
	[dreg:$0xa] =	wrdreg s25;
	s1 =	sadd.s32 s5, s1  }
0x15: {  	s21 =	simm.s32 $0x2;
	s24 =	simm.s32 $0x600;
	[dreg:$0x7] =	wrdreg s7  }
0x16: {  	s0 =	sadd.s32 $0x37000, s0;
	s26 =	sadd.s32 $0x2D000, s10;
	[dreg:$0xc] =	wrdreg s1  }
0x17: {  	s1 =	simm.s32 $0x380;
	s7 =	simm.s32 $0x400;
	[dreg:$0x6] =	wrdreg s0  }
0x18: {  	s10 =	simm.s32 $0x900;
	[dreg:$0xb] =	wrdreg s26;
	s0 =	sshrl.u32 s22, $0x3  }
0x19: {  	v0 =	vimm.f32 $0.0e+00;
	s26 =	simm.s32 $0x200;
	[dreg:$0xd] =	wrdreg s0;
	s0 =	simm.s32 $0x780  }
.LBB2_1:
0x1a: {  	s5 =	smul.u32 $0xE38F, s3;
	_ =	sdelay $0x1  }
0x1b: {  	[dreg:$0xe] =	wrdreg s12;
	s25 =	simm.s32 $0x0;
	s13 =	sshrl.u32 s5, $0x13  }
0x1c: {  	_ =	strace $0x80000048;
	s5 =	simm.s32 $0x1;
	s12 =	smul.u32 $0x9, s13  }
.LBB2_2:
0x1d: {  	s20 =	smul.u32 $0xE38F, s5  }
0x1e: {  	s22 =	smov.u32 s5;
	s13 =	smul.u32 $0x240, s13;
	p1 =	sne.s32 s5, $0x47F  }
.Ltmp0:
0x1f: {  	s12 =	ssub.s32 s25, s12;
	(pc) =	sbr.rel @p1 .LBB2_2-.Ltmp0, $4  }
0x20: {  	s5 =	sadd.s32 $0x1, s5;
	s12 =	sand.u32 $0xFFFF, s12  }
0x21: {  	s25 =	smov.u32 s22;
	s23 =	sshrl.u32 s13, $0x2;
	s12 =	sshll.u32 s12, $0x4  }
0x22: {  	s13 =	sshrl.u32 s20, $0x13;
	s20 =	sadd.s32 s12, s23  }
0x23: {  	s12 =	smul.u32 $0x9, s13;
	[tilespmem:s20+$0xA00] =	vst v0  }
0x24: {  	_ = 	snop  }
0x25: {  	s5 =	ssub.s32 s25, s12;
	s25 =	smul.u32 $0x240, s13  }
0x26: {  	s5 =	sand.u32 $0xFFFF, s5  }
0x27: {  	s12 =	sshrl.u32 s25, $0x2;
	s5 =	sshll.u32 s5, $0x4  }
0x28: {  	s5 =	sadd.s32 s5, s12  }
0x29: {  	s13 =	rddreg [dreg:$0x4];
	[tilespmem:s5+$0xA00] =	vst v0  }
0x2a: {  	[spmem:s13] =	stream.linear.scatter [tilespmem:s14], [sflag:$0x3], $0x4800, $0x200038;
	[tilespmem:$0x1F9D8] =	vst v63  }
0x2b: {  	_ =	swait.ge [sflag:s15], $0x4800  }
0x2c: {  	[sflag:s15] =	ssyncset.done $0x0  }
0x2d: {  	s20 =	rddreg [dreg:$0x8];
	[sflag:s15] =	ssyncadd.s32 $0xFFFFB800  }
0x2e: {  	[spmem:s20] =	stream.linear.scatter [tilespmem:s14], [sflag:$0x3], $0x4800, $0x200038;
	[tilespmem:$0x1F9D8] =	vst v63  }
0x2f: {  	_ =	swait.ge [sflag:s15], $0x4800  }
0x30: {  	[sflag:s15] =	ssyncset.done $0x0  }
0x31: {  	s22 =	rddreg [dreg:$0x9];
	[sflag:s15] =	ssyncadd.s32 $0xFFFFB800  }
0x32: {  	[spmem:s22] =	stream.linear.scatter [tilespmem:s14], [sflag:$0x3], $0x4800, $0x200038;
	[tilespmem:$0x1F9D8] =	vst v63  }
0x33: {  	_ =	swait.ge [sflag:s15], $0x4800  }
0x34: {  	[sflag:s15] =	ssyncset.done $0x0  }
0x35: {  	s23 =	rddreg [dreg:$0xa];
	[sflag:s15] =	ssyncadd.s32 $0xFFFFB800  }
0x36: {  	[spmem:s23] =	stream.linear.scatter [tilespmem:s14], [sflag:$0x3], $0x4800, $0x200038;
	[tilespmem:$0x1F9D8] =	vst v63  }
0x37: {  	_ =	swait.ge [sflag:s15], $0x4800  }
0x38: {  	[sflag:s15] =	ssyncset.done $0x0  }
0x39: {  	s25 =	rddreg [dreg:$0x5];
	[sflag:s15] =	ssyncadd.s32 $0xFFFFB800  }
0x3a: {  	[spmem:s25] =	stream.linear.scatter [tilespmem:s14], [sflag:$0x3], $0x3F90, $0x200038;
	[tilespmem:$0x1F9D8] =	vst v63  }
0x3b: {  	_ =	swait.ge [sflag:s15], $0x3F90  }
0x3c: {  	[sflag:s15] =	ssyncset.done $0x0  }
0x3d: {  	[sflag:s15] =	ssyncadd.s32 $0xFFFFC070  }
0x3e: {  	[bflag:$0x0] =	sbarrier.arrive $0xFFFF  }
0x3f: {  	_ =	strace $0x90000048  }
0x40: {  	_ =	strace $0x80000049  }
0x41: {  	s12 =	simm.s32 $0x100;
	s5 =	simm.s32 $0x0;
	s13 =	rddreg [dreg:$0xc]  }
0x42: {  	s20 =	simm.s32 $0x580;
	s22 =	simm.s32 $0x180;
	s25 =	rddreg [dreg:$0xb]  }
.LBB2_4:
0x43: {  	[tilespmem:s3], [sflag:$0x3] =	stream.linear.gather [hbm4b:s13+s3], $0x500, $0x200038;
	[tilespmem:$0x1F9D8] =	vst v63  }
0x44: {  	_ =	swait.ge [sflag:s15], $0x500  }
0x45: {  	[sflag:s15] =	ssyncset.done $0x0  }
0x46: {  	[sflag:s15] =	ssyncadd.s32 $0xFFFFFB00  }
0x47: {  	[tilespmem:s16], [sflag:$0x3] =	stream.linear.gather [hbm4b:s25+s3], $0x500, $0x200038;
	[tilespmem:$0x1F9D8] =	vst v63  }
0x48: {  	_ =	swait.ge [sflag:s15], $0x500  }
0x49: {  	[sflag:s15] =	ssyncset.done $0x0  }
0x4a: {  	[sflag:s15] =	ssyncadd.s32 $0xFFFFFB00  }
0x4b: {  	[tilespmem:s14], [sflag:$0x1] =	stream.indirect.gather [hbm4b:s4+s17], $0x90, s3, s17, $0x2000b8;
	[tilespmem:$0x1F9D8] =	vst v63  }
0x4c: {  	_ = 	snop  }
0x4d: {  	[tilespmem:s18], [sflag:$0x2] =	stream.indirect.gather [hbm4b:s4+s17], $0x90, s17, s17, $0x2000b8;
	[tilespmem:$0x1F9D8] =	vst v63  }
0x4e: {  	_ =	swait.ge [sflag:s19], $0x4800  }
0x4f: {  	[sflag:s19] =	ssyncset.done $0x0  }
0x50: {  	[sflag:s19] =	ssyncadd.s32 $0xFFFFB800  }
0x51: {  	[spmem:s2] =	stream.indirect.scatter.add.f32 [tilespmem:s14], [sflag:$0x3], $0x90, s16, s17, $0x2000b8;
	[tilespmem:$0x1F9D8] =	vst v63  }
0x52: {  	_ =	swait.ge [sflag:s15], $0x4800  }
0x53: {  	[sflag:s15] =	ssyncset.done $0x0  }
0x54: {  	[sflag:s15] =	ssyncadd.s32 $0xFFFFB800  }
0x55: {  	[tilespmem:s14], [sflag:$0x1] =	stream.indirect.gather [hbm4b:s4+s17], $0x90, s12, s17, $0x2000b8;
	[tilespmem:$0x1F9D8] =	vst v63  }
0x56: {  	_ =	swait.ge [sflag:s21], $0x4800  }
0x57: {  	[sflag:s21] =	ssyncset.done $0x0  }
0x58: {  	[sflag:s21] =	ssyncadd.s32 $0xFFFFB800  }
0x59: {  	[spmem:s2] =	stream.indirect.scatter.add.f32 [tilespmem:s18], [sflag:$0x3], $0x90, s20, s17, $0x2000b8;
	[tilespmem:$0x1F9D8] =	vst v63  }
0x5a: {  	_ =	swait.ge [sflag:s15], $0x4800  }
0x5b: {  	[sflag:s15] =	ssyncset.done $0x0  }
0x5c: {  	[sflag:s15] =	ssyncadd.s32 $0xFFFFB800  }
0x5d: {  	[tilespmem:s18], [sflag:$0x2] =	stream.indirect.gather [hbm4b:s4+s17], $0x90, s22, s17, $0x2000b8;
	[tilespmem:$0x1F9D8] =	vst v63  }
0x5e: {  	_ =	swait.ge [sflag:s19], $0x4800  }
0x5f: {  	[sflag:s19] =	ssyncset.done $0x0  }
0x60: {  	[sflag:s19] =	ssyncadd.s32 $0xFFFFB800  }
0x61: {  	[spmem:s2] =	stream.indirect.scatter.add.f32 [tilespmem:s14], [sflag:$0x3], $0x90, s24, s17, $0x2000b8;
	[tilespmem:$0x1F9D8] =	vst v63  }
0x62: {  	_ =	swait.ge [sflag:s15], $0x4800  }
0x63: {  	[sflag:s15] =	ssyncset.done $0x0  }
0x64: {  	[sflag:s15] =	ssyncadd.s32 $0xFFFFB800  }
0x65: {  	[tilespmem:s14], [sflag:$0x1] =	stream.indirect.gather [hbm4b:s4+s17], $0x90, s26, s17, $0x2000b8;
	[tilespmem:$0x1F9D8] =	vst v63  }
0x66: {  	_ =	swait.ge [sflag:s21], $0x4800  }
0x67: {  	[sflag:s21] =	ssyncset.done $0x0  }
0x68: {  	[sflag:s21] =	ssyncadd.s32 $0xFFFFB800  }
0x69: {  	[spmem:s2] =	stream.indirect.scatter.add.f32 [tilespmem:s18], [sflag:$0x3], $0x90, s28, s17, $0x2000b8;
	[tilespmem:$0x1F9D8] =	vst v63  }
0x6a: {  	_ =	swait.ge [sflag:s15], $0x4800  }
0x6b: {  	[sflag:s15] =	ssyncset.done $0x0  }
0x6c: {  	[sflag:s15] =	ssyncadd.s32 $0xFFFFB800  }
0x6d: {  	[tilespmem:s18], [sflag:$0x2] =	stream.indirect.gather [hbm4b:s4+s17], $0x90, s29, s17, $0x2000b8;
	[tilespmem:$0x1F9D8] =	vst v63  }
0x6e: {  	_ =	swait.ge [sflag:s19], $0x4800  }
0x6f: {  	[sflag:s19] =	ssyncset.done $0x0  }
0x70: {  	[sflag:s19] =	ssyncadd.s32 $0xFFFFB800  }
0x71: {  	[spmem:s2] =	stream.indirect.scatter.add.f32 [tilespmem:s14], [sflag:$0x3], $0x90, s30, s17, $0x2000b8;
	[tilespmem:$0x1F9D8] =	vst v63  }
0x72: {  	_ =	swait.ge [sflag:s15], $0x4800  }
0x73: {  	[sflag:s15] =	ssyncset.done $0x0  }
0x74: {  	[sflag:s15] =	ssyncadd.s32 $0xFFFFB800  }
0x75: {  	[tilespmem:s14], [sflag:$0x1] =	stream.indirect.gather [hbm4b:s4+s17], $0x90, s31, s17, $0x2000b8;
	[tilespmem:$0x1F9D8] =	vst v63  }
0x76: {  	_ =	swait.ge [sflag:s21], $0x4800  }
0x77: {  	[sflag:s21] =	ssyncset.done $0x0  }
0x78: {  	[sflag:s21] =	ssyncadd.s32 $0xFFFFB800  }
0x79: {  	[spmem:s2] =	stream.indirect.scatter.add.f32 [tilespmem:s18], [sflag:$0x3], $0x90, s0, s17, $0x2000b8;
	[tilespmem:$0x1F9D8] =	vst v63  }
0x7a: {  	_ =	swait.ge [sflag:s15], $0x4800  }
0x7b: {  	[sflag:s15] =	ssyncset.done $0x0  }
0x7c: {  	[sflag:s15] =	ssyncadd.s32 $0xFFFFB800  }
0x7d: {  	[tilespmem:s18], [sflag:$0x2] =	stream.indirect.gather [hbm4b:s4+s17], $0x90, s1, s17, $0x2000b8;
	[tilespmem:$0x1F9D8] =	vst v63  }
0x7e: {  	_ =	swait.ge [sflag:s19], $0x4800  }
0x7f: {  	[sflag:s19] =	ssyncset.done $0x0  }
0x80: {  	[sflag:s19] =	ssyncadd.s32 $0xFFFFB800  }
0x81: {  	[spmem:s2] =	stream.indirect.scatter.add.f32 [tilespmem:s14], [sflag:$0x3], $0x90, s6, s17, $0x2000b8;
	[tilespmem:$0x1F9D8] =	vst v63  }
0x82: {  	_ =	swait.ge [sflag:s15], $0x4800  }
0x83: {  	[sflag:s15] =	ssyncset.done $0x0  }
0x84: {  	[sflag:s15] =	ssyncadd.s32 $0xFFFFB800  }
0x85: {  	[tilespmem:s14], [sflag:$0x1] =	stream.indirect.gather [hbm4b:s4+s17], $0x90, s7, s17, $0x2000b8;
	[tilespmem:$0x1F9D8] =	vst v63  }
0x86: {  	_ =	swait.ge [sflag:s21], $0x4800  }
0x87: {  	[sflag:s21] =	ssyncset.done $0x0  }
0x88: {  	[sflag:s21] =	ssyncadd.s32 $0xFFFFB800  }
0x89: {  	[spmem:s2] =	stream.indirect.scatter.add.f32 [tilespmem:s18], [sflag:$0x3], $0x90, s8, s17, $0x2000b8;
	[tilespmem:$0x1F9D8] =	vst v63  }
0x8a: {  	_ =	swait.ge [sflag:s15], $0x4800  }
0x8b: {  	[sflag:s15] =	ssyncset.done $0x0  }
0x8c: {  	[sflag:s15] =	ssyncadd.s32 $0xFFFFB800  }
0x8d: {  	[tilespmem:s18], [sflag:$0x2] =	stream.indirect.gather [hbm4b:s4+s17], $0x90, s9, s17, $0x2000b8;
	[tilespmem:$0x1F9D8] =	vst v63  }
0x8e: {  	_ =	swait.ge [sflag:s19], $0x4800  }
0x8f: {  	[sflag:s19] =	ssyncset.done $0x0  }
0x90: {  	[sflag:s19] =	ssyncadd.s32 $0xFFFFB800  }
0x91: {  	[spmem:s2] =	stream.indirect.scatter.add.f32 [tilespmem:s14], [sflag:$0x3], $0x90, s10, s17, $0x2000b8;
	[tilespmem:$0x1F9D8] =	vst v63  }
0x92: {  	_ =	swait.ge [sflag:s15], $0x4800  }
0x93: {  	[sflag:s15] =	ssyncset.done $0x0  }
0x94: {  	[sflag:s15] =	ssyncadd.s32 $0xFFFFB800  }
0x95: {  	p1 =	slt.u32 @!p0 s5, $0xE;
	_ =	swait.ge [sflag:s21], $0x4800  }
0x96: {  	p1 =	por p0, !p1;
	[sflag:s21] =	ssyncset.done $0x0  }
.Ltmp1:
0x97: {  	[sflag:s21] =	ssyncadd.s32 $0xFFFFB800;
	(pc) =	sbr.rel @!p1 .LBB2_4-.Ltmp1, $4  }
0x98: {  	[spmem:s2] =	stream.indirect.scatter.add.f32 [tilespmem:s18], [sflag:$0x3], $0x90, s11, s17, $0x2000b8;
	[tilespmem:$0x1F9D8] =	vst v63  }
0x99: {  	_ =	swait.ge [sflag:s15], $0x4800  }
0x9a: {  	s5 =	sadd.s32 $0x1, s5;
	[sflag:s15] =	ssyncset.done $0x0  }
0x9b: {  	s13 =	sadd.s32 $0xA0, s13;
	s25 =	sadd.s32 $0xA0, s25;
	[sflag:s15] =	ssyncadd.s32 $0xFFFFB800  }
0x9c: {  	[bflag:$0x0] =	sbarrier.arrive $0xFFFF  }
0x9d: {  	_ =	strace $0x90000049  }
0x9e: {  	s5 =	stileid.u32;
	_ =	strace $0x8000004A  }
0x9f: {  	s5 =	sshll.u32 s5, $0x6;
	s12 =	rddreg [dreg:$0x6]  }
0xa0: {  	s5 =	sor.u32 $0x1C03, s5;
	s13 =	rddreg [dreg:$0xd]  }
0xa1: {  	[hbm:s12], [sflag:s5] =	dma.local [spmem:s13], $0x2BF2  }
0xa2: {  	_ =	swait.ge [sflag:s15], $0x2BF2  }
0xa3: {  	s23 =	rddreg [dreg:$0xe]  }
0xa4: {  	s25 =	rddreg [dreg:$0x7];
	s12 =	sadd.s32 $0x1, s23  }
0xa5: {  	p1 =	sne.s32 s12, s25  }
.Ltmp2:
0xa6: {  	_ = 	snop;
	(pc) =	sbr.rel @p1 .LBB2_1-.Ltmp2, $4  }
0xa7: {  	_ = 	snop  }
0xa8: {  	[sflag:s15] =	ssyncset.done $0x0  }
0xa9: {  	[sflag:s15] =	ssyncadd.s32 $0xFFFFD40E  }
0xaa: {  	_ =	strace $0x9000004A  }
0xab: {  	_ =	sfence.sel $0x180000  }
0xac: {  	[bflag:$0x0] =	sbarrier.arrive $0xFFFF  }
0xad: {  	_ =	strace $0x90000047  }
0xae: {  	s0 =	stileid.u32;
	[bflag:$0x2] =	sbarrier.arrive $0xFFFF  }
0xaf: {  	p0 =	sne.s32 s0, $0x0;
	s0 =	rddreg [dreg:$0x3]  }
0xb0: {  	s0 =	sadd.s32 @!p0 $0x100000, s0  }
0xb1: {  	[sflag:s0] =	ssyncadd.tile.s32 @!p0 $0x1;
	_ =	shalt  }
.Lfunc_end2:
_tile_overlayer_lowered:
.L_overlay_start_2:
0xb2: {  	(tag) =	ssettag $0x2  }
0xb3: {  	s0 =	rddreg [dreg:$0x0];
	s2 =	stileid.u32  }
0xb4: {  	s1 =	rddreg [dreg:$0x1];
	p0 =	sne.s32 s2, $0x0  }
0xb5: {  	s3 =	rddreg [dreg:$0x2];
	[bflag:$0x3] =	sbarrier.arrive $0xFFFF;
	s2 =	simm.s32 @!p0 $0x1C03  }
0xb6: {  	[timem:s3], [sflag:s2] =	dma.local @!p0 [hbm:s0], s1  }
0xb7: {  	s0 =	simm.s32 @!p0 $0x3  }
0xb8: {  	_ =	swait.ge @!p0 [sflag:s0], s1  }
0xb9: {  	s1 =	ssub.s32 @!p0 $0x0, s1;
	[sflag:s0] =	ssyncset.done @!p0 $0x0  }
0xba: {  	[sflag:s0] =	ssyncadd.s32 @!p0 s1  }
0xbb: {  	[bflag:$0x3] =	sbarrier.arrive $0xFFFF  }
0xbc: {  	_ =	shalt  }

</sc_bundles>
